<compile_context>
chip_gen: v7x
topology: tpu7x:2x2x1
jax: 0.10.2.dev20260603
libtpu: 0.0.44.dev20260713+nightly
codegen_flags: <defaults>
</compile_context>

<pallas_src>
import functools

import jax
import jax.numpy as jnp
from jax.experimental import pallas as pl
from jax.experimental.pallas import tpu as pltpu
from jax.experimental.pallas import tpu_sc as plsc

N_CLASSES = 64
N_PER = 32
N_SUPPORT = 8
D = 256
N = N_CLASSES * N_PER
N_QUERY = N_PER - N_SUPPORT
_LANES = 16
_N_WORKERS = 32


_N_CORES = 1
_N_SUB = 16
_PER_W = N_CLASSES // (_N_CORES * _N_SUB)


def _sc_prototypes(x):
    mesh = plsc.VectorSubcoreMesh(core_axis_name="c", subcore_axis_name="s",
                                  num_cores=_N_CORES)

    @functools.partial(
        pl.kernel,
        out_type=jax.ShapeDtypeStruct((N_CLASSES, D), jnp.float32),
        mesh=mesh,
        scratch_types=[
            pltpu.VMEM((_PER_W * N_SUPPORT, D), jnp.float32),
            pltpu.VMEM((_PER_W, D), jnp.float32),
            pltpu.SemaphoreType.DMA,
            pltpu.SemaphoreType.DMA,
        ],
    )
    def proto_kernel(x_hbm, p_hbm, buf, rows, sem_in, sem_out):
        cid = jax.lax.axis_index("c")
        sid = jax.lax.axis_index("s")
        wid = sid * _N_CORES + cid
        copies = []
        for j in range(_PER_W):
            cls = wid + _N_CORES * _N_SUB * j
            copies.append(pltpu.async_copy(
                x_hbm.at[pl.ds(cls * N_PER, N_SUPPORT)],
                buf.at[pl.ds(j * N_SUPPORT, N_SUPPORT)], sem_in))
        for cp in copies:
            cp.wait()

        def chunk(k, carry):
            sl = pl.ds(k * _LANES, _LANES)
            for j in range(_PER_W):
                acc = buf[j * N_SUPPORT, sl]
                for r in range(1, N_SUPPORT):
                    acc = acc + buf[j * N_SUPPORT + r, sl]
                rows[j, sl] = acc * (1.0 / N_SUPPORT)
            return carry

        jax.lax.fori_loop(0, D // _LANES, chunk, 0)
        outs = []
        for j in range(_PER_W):
            cls = wid + _N_CORES * _N_SUB * j
            outs.append(pltpu.async_copy(rows.at[j], p_hbm.at[cls], sem_out))
        for cp in outs:
            cp.wait()

    return proto_kernel(x)


def _loss_tc_kernel(x_ref, p_ref, out_ref):
    x = x_ref[...]
    p = p_ref[...]

    pn_row = jax.lax.dot_general(
        jnp.ones((1, D), jnp.float32), p * p,
        (((1,), (1,)), ((), ())), preferred_element_type=jnp.float32)

    g = jax.lax.dot_general(
        x, p, (((1,), (1,)), ((), ())),
        preferred_element_type=jnp.float32)
    a = 2.0 * g - pn_row

    m = jnp.max(a, axis=1, keepdims=True)
    lse = m + jnp.log(jnp.sum(jnp.exp(a - m), axis=1, keepdims=True))

    ri = jax.lax.broadcasted_iota(jnp.int32, (N, N_CLASSES), 0)
    ci = jax.lax.broadcasted_iota(jnp.int32, (N, N_CLASSES), 1)
    pick = jnp.sum(jnp.where(ci == ri // N_PER, a, 0.0), axis=1, keepdims=True)

    per_row = lse - pick
    row = jax.lax.broadcasted_iota(jnp.int32, (N, 1), 0)
    is_query = (row % N_PER) >= N_SUPPORT
    total = jnp.sum(jnp.where(is_query, per_row, 0.0), axis=0, keepdims=True)
    out_ref[...] = total / float(N_CLASSES * N_QUERY)


def kernel(input, target):
    del target
    p = _sc_prototypes(input)
    out = pl.pallas_call(
        _loss_tc_kernel,
        out_shape=jax.ShapeDtypeStruct((1, 1), jnp.float32),
    )(input, p)
    return out.reshape(())

# --- scband reference (transcript-rebuilt; emitter-appended) ---
"""Pipeline reference for scband-prototypical-loss-4672924418509 (READ-ONLY COPY).

The authoritative reference and input builder live on the scoring server;
editing this copy changes nothing except your own understanding.
"""

import jax, jax.numpy as jnp
import numpy as np

N_CLASSES = 64
N_PER = 32
N_SUPPORT = 8
D = 256


def euclidean_dist(x, y):
    # x: [n, d], y: [m, d] -> [n, m]
    n, d = x.shape
    m = y.shape[0]
    assert d == y.shape[1]
    xe = jnp.broadcast_to(x[:, None, :], (n, m, d))
    ye = jnp.broadcast_to(y[None, :, :], (n, m, d))
    return jnp.sum(jnp.power(xe - ye, 2), axis=2)


def setup_inputs(seed: int = 0) -> dict:
    key = jax.random.key(seed)
    x = jax.random.normal(key, (N_CLASSES * N_PER, D), dtype=jnp.float32)
    # balanced episodic target: each class appears exactly N_PER times (sorted)
    target = jnp.repeat(jnp.arange(N_CLASSES, dtype=jnp.int32), N_PER)
    return {"input": x, "target": target}


def reference(input, target):
    # prototypical_loss with mode='avg'
    classes = jnp.unique(target, size=N_CLASSES)
    n_classes = N_CLASSES
    n_query = N_PER - N_SUPPORT

    support_idxs = [jnp.nonzero(target == c, size=N_PER)[0][:N_SUPPORT] for c in classes]
    query_idx_list = [jnp.nonzero(target == c, size=N_PER)[0][N_SUPPORT:] for c in classes]
    query_idxs = jnp.concatenate(query_idx_list).reshape(-1)

    query_samples = jnp.take(input, query_idxs, axis=0)
    prototypes = jnp.stack([jnp.take(input, idx, axis=0).mean(axis=0) for idx in support_idxs])

    dists = euclidean_dist(query_samples, prototypes)
    log_p_y = jax.nn.log_softmax(-dists, axis=1).reshape(n_classes, n_query, -1)
    target_inds = jnp.broadcast_to(
        jnp.arange(n_classes).reshape(n_classes, 1, 1), (n_classes, n_query, 1)
    )
    loss_val = -jnp.take_along_axis(log_p_y, target_inds, axis=2).reshape(-1).mean()
    return loss_val

if __name__ == "__main__":
    import jax
    _d = setup_inputs()
    print(jax.jit(kernel)(*tuple(_d.values())))

</pallas_src>

<mosaic_0001>
#map = affine_map<(d0, d1) -> (0, 0)>
module attributes {stable_mosaic.version = 14 : i64} {
  func.func @proto_kernel(%arg0: i32, %arg1: i32, %arg2: memref<2048x256xf32, #tpu.memory_space<hbm>>, %arg3: memref<64x256xf32, #tpu.memory_space<hbm>>, %arg4: memref<32x256xf32, #tpu.memory_space<vmem>>, %arg5: memref<4x256xf32, #tpu.memory_space<vmem>>, %arg6: memref<!tpu.dma_semaphore, #tpu.memory_space<semaphore_mem>>, %arg7: memref<!tpu.dma_semaphore, #tpu.memory_space<semaphore_mem>>) attributes {dimension_semantics = [#tpu.dimension_semantics<core_parallel>, #tpu.dimension_semantics<subcore_parallel>], iteration_bounds = array<i64: 1, 16>, scalar_prefetch = 0 : i64, scratch_operands = 4 : i64, tpu.core_type = #tpu.core_type<sc_vector_subcore>, window_params = [{transform_indices = #map}, {transform_indices = #map}]} {
    %mul3A = arith.constant 1 : i32
    %mul3A_0 = arith.muli %arg1, %mul3A : i32
    %add3A = arith.addi %mul3A_0, %arg0 : i32
    %add3A_1 = arith.constant 0 : i32
    %add3A_2 = arith.addi %add3A, %add3A_1 : i32
    %mul3A_3 = arith.constant 32 : i32
    %mul3A_4 = arith.muli %add3A_2, %mul3A_3 : i32
    %dma_start3A = arith.constant 0 : i32
    %dma_start3A_5 = arith.constant 0 : i32
    %dma_start3A_6 = tpu.memref_slice %arg4[%dma_start3A, %dma_start3A_5] : memref<32x256xf32, #tpu.memory_space<vmem>> -> memref<8x256xf32, #tpu.memory_space<vmem>>
    %dma_start3A_7 = arith.constant 0 : i32
    %dma_start3A_8 = tpu.memref_slice %arg2[%mul3A_4, %dma_start3A_7] : memref<2048x256xf32, #tpu.memory_space<hbm>> -> memref<8x256xf32, #tpu.memory_space<hbm>>
    %dma_start3A_9 = arith.constant 0 : i32
    %dma_start3A_10 = arith.constant 0 : i32
    %dma_start3A_11 = tpu.memref_slice %arg4[%dma_start3A_9, %dma_start3A_10] : memref<32x256xf32, #tpu.memory_space<vmem>> -> memref<8x256xf32, #tpu.memory_space<vmem>>
    %dma_start3A_12 = arith.constant 0 : i32
    %dma_start3A_13 = tpu.memref_slice %arg2[%mul3A_4, %dma_start3A_12] : memref<2048x256xf32, #tpu.memory_space<hbm>> -> memref<8x256xf32, #tpu.memory_space<hbm>>
    tpu.enqueue_dma source(%dma_start3A_13 : memref<8x256xf32, #tpu.memory_space<hbm>>) target(%dma_start3A_11 : memref<8x256xf32, #tpu.memory_space<vmem>>) target_semaphore(%arg6 : memref<!tpu.dma_semaphore, #tpu.memory_space<semaphore_mem>>)
    %add3A_14 = arith.constant 16 : i32
    %add3A_15 = arith.addi %add3A, %add3A_14 : i32
    %mul3A_16 = arith.constant 32 : i32
    %mul3A_17 = arith.muli %add3A_15, %mul3A_16 : i32
    %dma_start3A_18 = arith.constant 8 : i32
    %dma_start3A_19 = arith.constant 0 : i32
    %dma_start3A_20 = tpu.memref_slice %arg4[%dma_start3A_18, %dma_start3A_19] : memref<32x256xf32, #tpu.memory_space<vmem>> -> memref<8x256xf32, #tpu.memory_space<vmem>>
    %dma_start3A_21 = arith.constant 0 : i32
    %dma_start3A_22 = tpu.memref_slice %arg2[%mul3A_17, %dma_start3A_21] : memref<2048x256xf32, #tpu.memory_space<hbm>> -> memref<8x256xf32, #tpu.memory_space<hbm>>
    %dma_start3A_23 = arith.constant 8 : i32
    %dma_start3A_24 = arith.constant 0 : i32
    %dma_start3A_25 = tpu.memref_slice %arg4[%dma_start3A_23, %dma_start3A_24] : memref<32x256xf32, #tpu.memory_space<vmem>> -> memref<8x256xf32, #tpu.memory_space<vmem>>
    %dma_start3A_26 = arith.constant 0 : i32
    %dma_start3A_27 = tpu.memref_slice %arg2[%mul3A_17, %dma_start3A_26] : memref<2048x256xf32, #tpu.memory_space<hbm>> -> memref<8x256xf32, #tpu.memory_space<hbm>>
    tpu.enqueue_dma source(%dma_start3A_27 : memref<8x256xf32, #tpu.memory_space<hbm>>) target(%dma_start3A_25 : memref<8x256xf32, #tpu.memory_space<vmem>>) target_semaphore(%arg6 : memref<!tpu.dma_semaphore, #tpu.memory_space<semaphore_mem>>)
    %add3A_28 = arith.constant 32 : i32
    %add3A_29 = arith.addi %add3A, %add3A_28 : i32
    %mul3A_30 = arith.constant 32 : i32
    %mul3A_31 = arith.muli %add3A_29, %mul3A_30 : i32
    %dma_start3A_32 = arith.constant 16 : i32
    %dma_start3A_33 = arith.constant 0 : i32
    %dma_start3A_34 = tpu.memref_slice %arg4[%dma_start3A_32, %dma_start3A_33] : memref<32x256xf32, #tpu.memory_space<vmem>> -> memref<8x256xf32, #tpu.memory_space<vmem>>
    %dma_start3A_35 = arith.constant 0 : i32
    %dma_start3A_36 = tpu.memref_slice %arg2[%mul3A_31, %dma_start3A_35] : memref<2048x256xf32, #tpu.memory_space<hbm>> -> memref<8x256xf32, #tpu.memory_space<hbm>>
    %dma_start3A_37 = arith.constant 16 : i32
    %dma_start3A_38 = arith.constant 0 : i32
    %dma_start3A_39 = tpu.memref_slice %arg4[%dma_start3A_37, %dma_start3A_38] : memref<32x256xf32, #tpu.memory_space<vmem>> -> memref<8x256xf32, #tpu.memory_space<vmem>>
    %dma_start3A_40 = arith.constant 0 : i32
    %dma_start3A_41 = tpu.memref_slice %arg2[%mul3A_31, %dma_start3A_40] : memref<2048x256xf32, #tpu.memory_space<hbm>> -> memref<8x256xf32, #tpu.memory_space<hbm>>
    tpu.enqueue_dma source(%dma_start3A_41 : memref<8x256xf32, #tpu.memory_space<hbm>>) target(%dma_start3A_39 : memref<8x256xf32, #tpu.memory_space<vmem>>) target_semaphore(%arg6 : memref<!tpu.dma_semaphore, #tpu.memory_space<semaphore_mem>>)
    %add3A_42 = arith.constant 48 : i32
    %add3A_43 = arith.addi %add3A, %add3A_42 : i32
    %mul3A_44 = arith.constant 32 : i32
    %mul3A_45 = arith.muli %add3A_43, %mul3A_44 : i32
    %dma_start3A_46 = arith.constant 24 : i32
    %dma_start3A_47 = arith.constant 0 : i32
    %dma_start3A_48 = tpu.memref_slice %arg4[%dma_start3A_46, %dma_start3A_47] : memref<32x256xf32, #tpu.memory_space<vmem>> -> memref<8x256xf32, #tpu.memory_space<vmem>>
    %dma_start3A_49 = arith.constant 0 : i32
    %dma_start3A_50 = tpu.memref_slice %arg2[%mul3A_45, %dma_start3A_49] : memref<2048x256xf32, #tpu.memory_space<hbm>> -> memref<8x256xf32, #tpu.memory_space<hbm>>
    %dma_start3A_51 = arith.constant 24 : i32
    %dma_start3A_52 = arith.constant 0 : i32
    %dma_start3A_53 = tpu.memref_slice %arg4[%dma_start3A_51, %dma_start3A_52] : memref<32x256xf32, #tpu.memory_space<vmem>> -> memref<8x256xf32, #tpu.memory_space<vmem>>
    %dma_start3A_54 = arith.constant 0 : i32
    %dma_start3A_55 = tpu.memref_slice %arg2[%mul3A_45, %dma_start3A_54] : memref<2048x256xf32, #tpu.memory_space<hbm>> -> memref<8x256xf32, #tpu.memory_space<hbm>>
    tpu.enqueue_dma source(%dma_start3A_55 : memref<8x256xf32, #tpu.memory_space<hbm>>) target(%dma_start3A_53 : memref<8x256xf32, #tpu.memory_space<vmem>>) target_semaphore(%arg6 : memref<!tpu.dma_semaphore, #tpu.memory_space<semaphore_mem>>)
    %dma_wait3A = arith.constant 0 : i32
    %dma_wait3A_56 = arith.constant 0 : i32
    %dma_wait3A_57 = tpu.memref_slice %arg4[%dma_wait3A, %dma_wait3A_56] : memref<32x256xf32, #tpu.memory_space<vmem>> -> memref<8x256xf32, #tpu.memory_space<vmem>>
    %dma_wait3A_58 = arith.constant 0 : i32
    %dma_wait3A_59 = tpu.memref_slice %arg2[%mul3A_4, %dma_wait3A_58] : memref<2048x256xf32, #tpu.memory_space<hbm>> -> memref<8x256xf32, #tpu.memory_space<hbm>>
    %dma_wait3A_60 = arith.constant 0 : i32
    %dma_wait3A_61 = arith.constant 0 : i32
    %dma_wait3A_62 = tpu.memref_slice %arg4[%dma_wait3A_60, %dma_wait3A_61] : memref<32x256xf32, #tpu.memory_space<vmem>> -> memref<8x256xf32, #tpu.memory_space<vmem>>
    %dma_wait3A_63 = arith.constant 0 : i32
    %dma_wait3A_64 = tpu.memref_slice %arg2[%mul3A_4, %dma_wait3A_63] : memref<2048x256xf32, #tpu.memory_space<hbm>> -> memref<8x256xf32, #tpu.memory_space<hbm>>
    tpu.wait_dma2 semaphore(%arg6 : memref<!tpu.dma_semaphore, #tpu.memory_space<semaphore_mem>>) src(%dma_wait3A_64 : memref<8x256xf32, #tpu.memory_space<hbm>>) dst(%dma_wait3A_62 : memref<8x256xf32, #tpu.memory_space<vmem>>)
    %dma_wait3A_65 = arith.constant 8 : i32
    %dma_wait3A_66 = arith.constant 0 : i32
    %dma_wait3A_67 = tpu.memref_slice %arg4[%dma_wait3A_65, %dma_wait3A_66] : memref<32x256xf32, #tpu.memory_space<vmem>> -> memref<8x256xf32, #tpu.memory_space<vmem>>
    %dma_wait3A_68 = arith.constant 0 : i32
    %dma_wait3A_69 = tpu.memref_slice %arg2[%mul3A_17, %dma_wait3A_68] : memref<2048x256xf32, #tpu.memory_space<hbm>> -> memref<8x256xf32, #tpu.memory_space<hbm>>
    %dma_wait3A_70 = arith.constant 8 : i32
    %dma_wait3A_71 = arith.constant 0 : i32
    %dma_wait3A_72 = tpu.memref_slice %arg4[%dma_wait3A_70, %dma_wait3A_71] : memref<32x256xf32, #tpu.memory_space<vmem>> -> memref<8x256xf32, #tpu.memory_space<vmem>>
    %dma_wait3A_73 = arith.constant 0 : i32
    %dma_wait3A_74 = tpu.memref_slice %arg2[%mul3A_17, %dma_wait3A_73] : memref<2048x256xf32, #tpu.memory_space<hbm>> -> memref<8x256xf32, #tpu.memory_space<hbm>>
    tpu.wait_dma2 semaphore(%arg6 : memref<!tpu.dma_semaphore, #tpu.memory_space<semaphore_mem>>) src(%dma_wait3A_74 : memref<8x256xf32, #tpu.memory_space<hbm>>) dst(%dma_wait3A_72 : memref<8x256xf32, #tpu.memory_space<vmem>>)
    %dma_wait3A_75 = arith.constant 16 : i32
    %dma_wait3A_76 = arith.constant 0 : i32
    %dma_wait3A_77 = tpu.memref_slice %arg4[%dma_wait3A_75, %dma_wait3A_76] : memref<32x256xf32, #tpu.memory_space<vmem>> -> memref<8x256xf32, #tpu.memory_space<vmem>>
    %dma_wait3A_78 = arith.constant 0 : i32
    %dma_wait3A_79 = tpu.memref_slice %arg2[%mul3A_31, %dma_wait3A_78] : memref<2048x256xf32, #tpu.memory_space<hbm>> -> memref<8x256xf32, #tpu.memory_space<hbm>>
    %dma_wait3A_80 = arith.constant 16 : i32
    %dma_wait3A_81 = arith.constant 0 : i32
    %dma_wait3A_82 = tpu.memref_slice %arg4[%dma_wait3A_80, %dma_wait3A_81] : memref<32x256xf32, #tpu.memory_space<vmem>> -> memref<8x256xf32, #tpu.memory_space<vmem>>
    %dma_wait3A_83 = arith.constant 0 : i32
    %dma_wait3A_84 = tpu.memref_slice %arg2[%mul3A_31, %dma_wait3A_83] : memref<2048x256xf32, #tpu.memory_space<hbm>> -> memref<8x256xf32, #tpu.memory_space<hbm>>
    tpu.wait_dma2 semaphore(%arg6 : memref<!tpu.dma_semaphore, #tpu.memory_space<semaphore_mem>>) src(%dma_wait3A_84 : memref<8x256xf32, #tpu.memory_space<hbm>>) dst(%dma_wait3A_82 : memref<8x256xf32, #tpu.memory_space<vmem>>)
    %dma_wait3A_85 = arith.constant 24 : i32
    %dma_wait3A_86 = arith.constant 0 : i32
    %dma_wait3A_87 = tpu.memref_slice %arg4[%dma_wait3A_85, %dma_wait3A_86] : memref<32x256xf32, #tpu.memory_space<vmem>> -> memref<8x256xf32, #tpu.memory_space<vmem>>
    %dma_wait3A_88 = arith.constant 0 : i32
    %dma_wait3A_89 = tpu.memref_slice %arg2[%mul3A_45, %dma_wait3A_88] : memref<2048x256xf32, #tpu.memory_space<hbm>> -> memref<8x256xf32, #tpu.memory_space<hbm>>
    %dma_wait3A_90 = arith.constant 24 : i32
    %dma_wait3A_91 = arith.constant 0 : i32
    %dma_wait3A_92 = tpu.memref_slice %arg4[%dma_wait3A_90, %dma_wait3A_91] : memref<32x256xf32, #tpu.memory_space<vmem>> -> memref<8x256xf32, #tpu.memory_space<vmem>>
    %dma_wait3A_93 = arith.constant 0 : i32
    %dma_wait3A_94 = tpu.memref_slice %arg2[%mul3A_45, %dma_wait3A_93] : memref<2048x256xf32, #tpu.memory_space<hbm>> -> memref<8x256xf32, #tpu.memory_space<hbm>>
    tpu.wait_dma2 semaphore(%arg6 : memref<!tpu.dma_semaphore, #tpu.memory_space<semaphore_mem>>) src(%dma_wait3A_94 : memref<8x256xf32, #tpu.memory_space<hbm>>) dst(%dma_wait3A_92 : memref<8x256xf32, #tpu.memory_space<vmem>>)
    %scan3A = arith.constant 0 : i32
    %scan3A_95 = arith.constant 0 : i32
    %scan3A_96 = arith.constant 16 : i32
    %scan3A_97 = arith.addi %scan3A_95, %scan3A_96 : i32
    %scan3A_98 = arith.constant 1 : i32
    scf.for %scan3A_212 = %scan3A_95 to %scan3A_97 step %scan3A_98  : i32 {
      %mul3A_213 = arith.constant 16 : i32
      %mul3A_214 = arith.muli %scan3A_212, %mul3A_213 : i32
      %get3A = arith.constant 0 : i32
      %get3A_215 = arith.index_cast %get3A : i32 to index
      %get3A_216 = arith.index_cast %mul3A_214 : i32 to index
      %get3A_217 = tpu.vector_load %arg4[%get3A_215, %get3A_216] {strides = array<i32>} : memref<32x256xf32, #tpu.memory_space<vmem>>, vector<1x16xf32>,
      %get3A_218 = vector.shape_cast %get3A_217 : vector<1x16xf32> to vector<16xf32>
      %get3A_219 = arith.constant 1 : i32
      %get3A_220 = arith.index_cast %get3A_219 : i32 to index
      %get3A_221 = arith.index_cast %mul3A_214 : i32 to index
      %get3A_222 = tpu.vector_load %arg4[%get3A_220, %get3A_221] {strides = array<i32>} : memref<32x256xf32, #tpu.memory_space<vmem>>, vector<1x16xf32>,
      %get3A_223 = vector.shape_cast %get3A_222 : vector<1x16xf32> to vector<16xf32>
      %add3A_224 = arith.addf %get3A_218, %get3A_223 : vector<16xf32>
      %get3A_225 = arith.constant 2 : i32
      %get3A_226 = arith.index_cast %get3A_225 : i32 to index
      %get3A_227 = arith.index_cast %mul3A_214 : i32 to index
      %get3A_228 = tpu.vector_load %arg4[%get3A_226, %get3A_227] {strides = array<i32>} : memref<32x256xf32, #tpu.memory_space<vmem>>, vector<1x16xf32>,
      %get3A_229 = vector.shape_cast %get3A_228 : vector<1x16xf32> to vector<16xf32>
      %add3A_230 = arith.addf %add3A_224, %get3A_229 : vector<16xf32>
      %get3A_231 = arith.constant 3 : i32
      %get3A_232 = arith.index_cast %get3A_231 : i32 to index
      %get3A_233 = arith.index_cast %mul3A_214 : i32 to index
      %get3A_234 = tpu.vector_load %arg4[%get3A_232, %get3A_233] {strides = array<i32>} : memref<32x256xf32, #tpu.memory_space<vmem>>, vector<1x16xf32>,
      %get3A_235 = vector.shape_cast %get3A_234 : vector<1x16xf32> to vector<16xf32>
      %add3A_236 = arith.addf %add3A_230, %get3A_235 : vector<16xf32>
      %get3A_237 = arith.constant 4 : i32
      %get3A_238 = arith.index_cast %get3A_237 : i32 to index
      %get3A_239 = arith.index_cast %mul3A_214 : i32 to index
      %get3A_240 = tpu.vector_load %arg4[%get3A_238, %get3A_239] {strides = array<i32>} : memref<32x256xf32, #tpu.memory_space<vmem>>, vector<1x16xf32>,
      %get3A_241 = vector.shape_cast %get3A_240 : vector<1x16xf32> to vector<16xf32>
      %add3A_242 = arith.addf %add3A_236, %get3A_241 : vector<16xf32>
      %get3A_243 = arith.constant 5 : i32
      %get3A_244 = arith.index_cast %get3A_243 : i32 to index
      %get3A_245 = arith.index_cast %mul3A_214 : i32 to index
      %get3A_246 = tpu.vector_load %arg4[%get3A_244, %get3A_245] {strides = array<i32>} : memref<32x256xf32, #tpu.memory_space<vmem>>, vector<1x16xf32>,
      %get3A_247 = vector.shape_cast %get3A_246 : vector<1x16xf32> to vector<16xf32>
      %add3A_248 = arith.addf %add3A_242, %get3A_247 : vector<16xf32>
      %get3A_249 = arith.constant 6 : i32
      %get3A_250 = arith.index_cast %get3A_249 : i32 to index
      %get3A_251 = arith.index_cast %mul3A_214 : i32 to index
      %get3A_252 = tpu.vector_load %arg4[%get3A_250, %get3A_251] {strides = array<i32>} : memref<32x256xf32, #tpu.memory_space<vmem>>, vector<1x16xf32>,
      %get3A_253 = vector.shape_cast %get3A_252 : vector<1x16xf32> to vector<16xf32>
      %add3A_254 = arith.addf %add3A_248, %get3A_253 : vector<16xf32>
      %get3A_255 = arith.constant 7 : i32
      %get3A_256 = arith.index_cast %get3A_255 : i32 to index
      %get3A_257 = arith.index_cast %mul3A_214 : i32 to index
      %get3A_258 = tpu.vector_load %arg4[%get3A_256, %get3A_257] {strides = array<i32>} : memref<32x256xf32, #tpu.memory_space<vmem>>, vector<1x16xf32>,
      %get3A_259 = vector.shape_cast %get3A_258 : vector<1x16xf32> to vector<16xf32>
      %add3A_260 = arith.addf %add3A_254, %get3A_259 : vector<16xf32>
      %mul3A_261 = arith.constant 1.250000e-01 : f32
      %mul3A_262 = vector.broadcast %mul3A_261 : f32 to vector<16xf32>
      %mul3A_263 = arith.mulf %add3A_260, %mul3A_262 : vector<16xf32>
      %swap3A = arith.constant 0 : i32
      %swap3A_264 = arith.index_cast %swap3A : i32 to index
      %swap3A_265 = arith.index_cast %mul3A_214 : i32 to index
      %swap3A_266 = tpu.vector_load %arg5[%swap3A_264, %swap3A_265] {strides = array<i32>} : memref<4x256xf32, #tpu.memory_space<vmem>>, vector<1x16xf32>,
      %swap3A_267 = vector.shape_cast %swap3A_266 : vector<1x16xf32> to vector<16xf32>
      %swap3A_268 = vector.shape_cast %mul3A_263 : vector<16xf32> to vector<1x16xf32>
      tpu.vector_store %arg5[%swap3A_264, %swap3A_265], %swap3A_268 {strides = array<i32>} : memref<4x256xf32, #tpu.memory_space<vmem>>, vector<1x16xf32>,
      %get3A_269 = arith.constant 8 : i32
      %get3A_270 = arith.index_cast %get3A_269 : i32 to index
      %get3A_271 = arith.index_cast %mul3A_214 : i32 to index
      %get3A_272 = tpu.vector_load %arg4[%get3A_270, %get3A_271] {strides = array<i32>} : memref<32x256xf32, #tpu.memory_space<vmem>>, vector<1x16xf32>,
      %get3A_273 = vector.shape_cast %get3A_272 : vector<1x16xf32> to vector<16xf32>
      %get3A_274 = arith.constant 9 : i32
      %get3A_275 = arith.index_cast %get3A_274 : i32 to index
      %get3A_276 = arith.index_cast %mul3A_214 : i32 to index
      %get3A_277 = tpu.vector_load %arg4[%get3A_275, %get3A_276] {strides = array<i32>} : memref<32x256xf32, #tpu.memory_space<vmem>>, vector<1x16xf32>,
      %get3A_278 = vector.shape_cast %get3A_277 : vector<1x16xf32> to vector<16xf32>
      %add3A_279 = arith.addf %get3A_273, %get3A_278 : vector<16xf32>
      %get3A_280 = arith.constant 10 : i32
      %get3A_281 = arith.index_cast %get3A_280 : i32 to index
      %get3A_282 = arith.index_cast %mul3A_214 : i32 to index
      %get3A_283 = tpu.vector_load %arg4[%get3A_281, %get3A_282] {strides = array<i32>} : memref<32x256xf32, #tpu.memory_space<vmem>>, vector<1x16xf32>,
      %get3A_284 = vector.shape_cast %get3A_283 : vector<1x16xf32> to vector<16xf32>
      %add3A_285 = arith.addf %add3A_279, %get3A_284 : vector<16xf32>
      %get3A_286 = arith.constant 11 : i32
      %get3A_287 = arith.index_cast %get3A_286 : i32 to index
      %get3A_288 = arith.index_cast %mul3A_214 : i32 to index
      %get3A_289 = tpu.vector_load %arg4[%get3A_287, %get3A_288] {strides = array<i32>} : memref<32x256xf32, #tpu.memory_space<vmem>>, vector<1x16xf32>,
      %get3A_290 = vector.shape_cast %get3A_289 : vector<1x16xf32> to vector<16xf32>
      %add3A_291 = arith.addf %add3A_285, %get3A_290 : vector<16xf32>
      %get3A_292 = arith.constant 12 : i32
      %get3A_293 = arith.index_cast %get3A_292 : i32 to index
      %get3A_294 = arith.index_cast %mul3A_214 : i32 to index
      %get3A_295 = tpu.vector_load %arg4[%get3A_293, %get3A_294] {strides = array<i32>} : memref<32x256xf32, #tpu.memory_space<vmem>>, vector<1x16xf32>,
      %get3A_296 = vector.shape_cast %get3A_295 : vector<1x16xf32> to vector<16xf32>
      %add3A_297 = arith.addf %add3A_291, %get3A_296 : vector<16xf32>
      %get3A_298 = arith.constant 13 : i32
      %get3A_299 = arith.index_cast %get3A_298 : i32 to index
      %get3A_300 = arith.index_cast %mul3A_214 : i32 to index
      %get3A_301 = tpu.vector_load %arg4[%get3A_299, %get3A_300] {strides = array<i32>} : memref<32x256xf32, #tpu.memory_space<vmem>>, vector<1x16xf32>,
      %get3A_302 = vector.shape_cast %get3A_301 : vector<1x16xf32> to vector<16xf32>
      %add3A_303 = arith.addf %add3A_297, %get3A_302 : vector<16xf32>
      %get3A_304 = arith.constant 14 : i32
      %get3A_305 = arith.index_cast %get3A_304 : i32 to index
      %get3A_306 = arith.index_cast %mul3A_214 : i32 to index
      %get3A_307 = tpu.vector_load %arg4[%get3A_305, %get3A_306] {strides = array<i32>} : memref<32x256xf32, #tpu.memory_space<vmem>>, vector<1x16xf32>,
      %get3A_308 = vector.shape_cast %get3A_307 : vector<1x16xf32> to vector<16xf32>
      %add3A_309 = arith.addf %add3A_303, %get3A_308 : vector<16xf32>
      %get3A_310 = arith.constant 15 : i32
      %get3A_311 = arith.index_cast %get3A_310 : i32 to index
      %get3A_312 = arith.index_cast %mul3A_214 : i32 to index
      %get3A_313 = tpu.vector_load %arg4[%get3A_311, %get3A_312] {strides = array<i32>} : memref<32x256xf32, #tpu.memory_space<vmem>>, vector<1x16xf32>,
      %get3A_314 = vector.shape_cast %get3A_313 : vector<1x16xf32> to vector<16xf32>
      %add3A_315 = arith.addf %add3A_309, %get3A_314 : vector<16xf32>
      %mul3A_316 = arith.constant 1.250000e-01 : f32
      %mul3A_317 = vector.broadcast %mul3A_316 : f32 to vector<16xf32>
      %mul3A_318 = arith.mulf %add3A_315, %mul3A_317 : vector<16xf32>
      %swap3A_319 = arith.constant 1 : i32
      %swap3A_320 = arith.index_cast %swap3A_319 : i32 to index
      %swap3A_321 = arith.index_cast %mul3A_214 : i32 to index
      %swap3A_322 = tpu.vector_load %arg5[%swap3A_320, %swap3A_321] {strides = array<i32>} : memref<4x256xf32, #tpu.memory_space<vmem>>, vector<1x16xf32>,
      %swap3A_323 = vector.shape_cast %swap3A_322 : vector<1x16xf32> to vector<16xf32>
      %swap3A_324 = vector.shape_cast %mul3A_318 : vector<16xf32> to vector<1x16xf32>
      tpu.vector_store %arg5[%swap3A_320, %swap3A_321], %swap3A_324 {strides = array<i32>} : memref<4x256xf32, #tpu.memory_space<vmem>>, vector<1x16xf32>,
      %get3A_325 = arith.constant 16 : i32
      %get3A_326 = arith.index_cast %get3A_325 : i32 to index
      %get3A_327 = arith.index_cast %mul3A_214 : i32 to index
      %get3A_328 = tpu.vector_load %arg4[%get3A_326, %get3A_327] {strides = array<i32>} : memref<32x256xf32, #tpu.memory_space<vmem>>, vector<1x16xf32>,
      %get3A_329 = vector.shape_cast %get3A_328 : vector<1x16xf32> to vector<16xf32>
      %get3A_330 = arith.constant 17 : i32
      %get3A_331 = arith.index_cast %get3A_330 : i32 to index
      %get3A_332 = arith.index_cast %mul3A_214 : i32 to index
      %get3A_333 = tpu.vector_load %arg4[%get3A_331, %get3A_332] {strides = array<i32>} : memref<32x256xf32, #tpu.memory_space<vmem>>, vector<1x16xf32>,
      %get3A_334 = vector.shape_cast %get3A_333 : vector<1x16xf32> to vector<16xf32>
      %add3A_335 = arith.addf %get3A_329, %get3A_334 : vector<16xf32>
      %get3A_336 = arith.constant 18 : i32
      %get3A_337 = arith.index_cast %get3A_336 : i32 to index
      %get3A_338 = arith.index_cast %mul3A_214 : i32 to index
      %get3A_339 = tpu.vector_load %arg4[%get3A_337, %get3A_338] {strides = array<i32>} : memref<32x256xf32, #tpu.memory_space<vmem>>, vector<1x16xf32>,
      %get3A_340 = vector.shape_cast %get3A_339 : vector<1x16xf32> to vector<16xf32>
      %add3A_341 = arith.addf %add3A_335, %get3A_340 : vector<16xf32>
      %get3A_342 = arith.constant 19 : i32
      %get3A_343 = arith.index_cast %get3A_342 : i32 to index
      %get3A_344 = arith.index_cast %mul3A_214 : i32 to index
      %get3A_345 = tpu.vector_load %arg4[%get3A_343, %get3A_344] {strides = array<i32>} : memref<32x256xf32, #tpu.memory_space<vmem>>, vector<1x16xf32>,
      %get3A_346 = vector.shape_cast %get3A_345 : vector<1x16xf32> to vector<16xf32>
      %add3A_347 = arith.addf %add3A_341, %get3A_346 : vector<16xf32>
      %get3A_348 = arith.constant 20 : i32
      %get3A_349 = arith.index_cast %get3A_348 : i32 to index
      %get3A_350 = arith.index_cast %mul3A_214 : i32 to index
      %get3A_351 = tpu.vector_load %arg4[%get3A_349, %get3A_350] {strides = array<i32>} : memref<32x256xf32, #tpu.memory_space<vmem>>, vector<1x16xf32>,
      %get3A_352 = vector.shape_cast %get3A_351 : vector<1x16xf32> to vector<16xf32>
      %add3A_353 = arith.addf %add3A_347, %get3A_352 : vector<16xf32>
      %get3A_354 = arith.constant 21 : i32
      %get3A_355 = arith.index_cast %get3A_354 : i32 to index
      %get3A_356 = arith.index_cast %mul3A_214 : i32 to index
      %get3A_357 = tpu.vector_load %arg4[%get3A_355, %get3A_356] {strides = array<i32>} : memref<32x256xf32, #tpu.memory_space<vmem>>, vector<1x16xf32>,
      %get3A_358 = vector.shape_cast %get3A_357 : vector<1x16xf32> to vector<16xf32>
      %add3A_359 = arith.addf %add3A_353, %get3A_358 : vector<16xf32>
      %get3A_360 = arith.constant 22 : i32
      %get3A_361 = arith.index_cast %get3A_360 : i32 to index
      %get3A_362 = arith.index_cast %mul3A_214 : i32 to index
      %get3A_363 = tpu.vector_load %arg4[%get3A_361, %get3A_362] {strides = array<i32>} : memref<32x256xf32, #tpu.memory_space<vmem>>, vector<1x16xf32>,
      %get3A_364 = vector.shape_cast %get3A_363 : vector<1x16xf32> to vector<16xf32>
      %add3A_365 = arith.addf %add3A_359, %get3A_364 : vector<16xf32>
      %get3A_366 = arith.constant 23 : i32
      %get3A_367 = arith.index_cast %get3A_366 : i32 to index
      %get3A_368 = arith.index_cast %mul3A_214 : i32 to index
      %get3A_369 = tpu.vector_load %arg4[%get3A_367, %get3A_368] {strides = array<i32>} : memref<32x256xf32, #tpu.memory_space<vmem>>, vector<1x16xf32>,
      %get3A_370 = vector.shape_cast %get3A_369 : vector<1x16xf32> to vector<16xf32>
      %add3A_371 = arith.addf %add3A_365, %get3A_370 : vector<16xf32>
      %mul3A_372 = arith.constant 1.250000e-01 : f32
      %mul3A_373 = vector.broadcast %mul3A_372 : f32 to vector<16xf32>
      %mul3A_374 = arith.mulf %add3A_371, %mul3A_373 : vector<16xf32>
      %swap3A_375 = arith.constant 2 : i32
      %swap3A_376 = arith.index_cast %swap3A_375 : i32 to index
      %swap3A_377 = arith.index_cast %mul3A_214 : i32 to index
      %swap3A_378 = tpu.vector_load %arg5[%swap3A_376, %swap3A_377] {strides = array<i32>} : memref<4x256xf32, #tpu.memory_space<vmem>>, vector<1x16xf32>,
      %swap3A_379 = vector.shape_cast %swap3A_378 : vector<1x16xf32> to vector<16xf32>
      %swap3A_380 = vector.shape_cast %mul3A_374 : vector<16xf32> to vector<1x16xf32>
      tpu.vector_store %arg5[%swap3A_376, %swap3A_377], %swap3A_380 {strides = array<i32>} : memref<4x256xf32, #tpu.memory_space<vmem>>, vector<1x16xf32>,
      %get3A_381 = arith.constant 24 : i32
      %get3A_382 = arith.index_cast %get3A_381 : i32 to index
      %get3A_383 = arith.index_cast %mul3A_214 : i32 to index
      %get3A_384 = tpu.vector_load %arg4[%get3A_382, %get3A_383] {strides = array<i32>} : memref<32x256xf32, #tpu.memory_space<vmem>>, vector<1x16xf32>,
      %get3A_385 = vector.shape_cast %get3A_384 : vector<1x16xf32> to vector<16xf32>
      %get3A_386 = arith.constant 25 : i32
      %get3A_387 = arith.index_cast %get3A_386 : i32 to index
      %get3A_388 = arith.index_cast %mul3A_214 : i32 to index
      %get3A_389 = tpu.vector_load %arg4[%get3A_387, %get3A_388] {strides = array<i32>} : memref<32x256xf32, #tpu.memory_space<vmem>>, vector<1x16xf32>,
      %get3A_390 = vector.shape_cast %get3A_389 : vector<1x16xf32> to vector<16xf32>
      %add3A_391 = arith.addf %get3A_385, %get3A_390 : vector<16xf32>
      %get3A_392 = arith.constant 26 : i32
      %get3A_393 = arith.index_cast %get3A_392 : i32 to index
      %get3A_394 = arith.index_cast %mul3A_214 : i32 to index
      %get3A_395 = tpu.vector_load %arg4[%get3A_393, %get3A_394] {strides = array<i32>} : memref<32x256xf32, #tpu.memory_space<vmem>>, vector<1x16xf32>,
      %get3A_396 = vector.shape_cast %get3A_395 : vector<1x16xf32> to vector<16xf32>
      %add3A_397 = arith.addf %add3A_391, %get3A_396 : vector<16xf32>
      %get3A_398 = arith.constant 27 : i32
      %get3A_399 = arith.index_cast %get3A_398 : i32 to index
      %get3A_400 = arith.index_cast %mul3A_214 : i32 to index
      %get3A_401 = tpu.vector_load %arg4[%get3A_399, %get3A_400] {strides = array<i32>} : memref<32x256xf32, #tpu.memory_space<vmem>>, vector<1x16xf32>,
      %get3A_402 = vector.shape_cast %get3A_401 : vector<1x16xf32> to vector<16xf32>
      %add3A_403 = arith.addf %add3A_397, %get3A_402 : vector<16xf32>
      %get3A_404 = arith.constant 28 : i32
      %get3A_405 = arith.index_cast %get3A_404 : i32 to index
      %get3A_406 = arith.index_cast %mul3A_214 : i32 to index
      %get3A_407 = tpu.vector_load %arg4[%get3A_405, %get3A_406] {strides = array<i32>} : memref<32x256xf32, #tpu.memory_space<vmem>>, vector<1x16xf32>,
      %get3A_408 = vector.shape_cast %get3A_407 : vector<1x16xf32> to vector<16xf32>
      %add3A_409 = arith.addf %add3A_403, %get3A_408 : vector<16xf32>
      %get3A_410 = arith.constant 29 : i32
      %get3A_411 = arith.index_cast %get3A_410 : i32 to index
      %get3A_412 = arith.index_cast %mul3A_214 : i32 to index
      %get3A_413 = tpu.vector_load %arg4[%get3A_411, %get3A_412] {strides = array<i32>} : memref<32x256xf32, #tpu.memory_space<vmem>>, vector<1x16xf32>,
      %get3A_414 = vector.shape_cast %get3A_413 : vector<1x16xf32> to vector<16xf32>
      %add3A_415 = arith.addf %add3A_409, %get3A_414 : vector<16xf32>
      %get3A_416 = arith.constant 30 : i32
      %get3A_417 = arith.index_cast %get3A_416 : i32 to index
      %get3A_418 = arith.index_cast %mul3A_214 : i32 to index
      %get3A_419 = tpu.vector_load %arg4[%get3A_417, %get3A_418] {strides = array<i32>} : memref<32x256xf32, #tpu.memory_space<vmem>>, vector<1x16xf32>,
      %get3A_420 = vector.shape_cast %get3A_419 : vector<1x16xf32> to vector<16xf32>
      %add3A_421 = arith.addf %add3A_415, %get3A_420 : vector<16xf32>
      %get3A_422 = arith.constant 31 : i32
      %get3A_423 = arith.index_cast %get3A_422 : i32 to index
      %get3A_424 = arith.index_cast %mul3A_214 : i32 to index
      %get3A_425 = tpu.vector_load %arg4[%get3A_423, %get3A_424] {strides = array<i32>} : memref<32x256xf32, #tpu.memory_space<vmem>>, vector<1x16xf32>,
      %get3A_426 = vector.shape_cast %get3A_425 : vector<1x16xf32> to vector<16xf32>
      %add3A_427 = arith.addf %add3A_421, %get3A_426 : vector<16xf32>
      %mul3A_428 = arith.constant 1.250000e-01 : f32
      %mul3A_429 = vector.broadcast %mul3A_428 : f32 to vector<16xf32>
      %mul3A_430 = arith.mulf %add3A_427, %mul3A_429 : vector<16xf32>
      %swap3A_431 = arith.constant 3 : i32
      %swap3A_432 = arith.index_cast %swap3A_431 : i32 to index
      %swap3A_433 = arith.index_cast %mul3A_214 : i32 to index
      %swap3A_434 = tpu.vector_load %arg5[%swap3A_432, %swap3A_433] {strides = array<i32>} : memref<4x256xf32, #tpu.memory_space<vmem>>, vector<1x16xf32>,
      %swap3A_435 = vector.shape_cast %swap3A_434 : vector<1x16xf32> to vector<16xf32>
      %swap3A_436 = vector.shape_cast %mul3A_430 : vector<16xf32> to vector<1x16xf32>
      tpu.vector_store %arg5[%swap3A_432, %swap3A_433], %swap3A_436 {strides = array<i32>} : memref<4x256xf32, #tpu.memory_space<vmem>>, vector<1x16xf32>,
    }
    %scan3A_99 = arith.constant 16 : i32
    %add3A_100 = arith.constant 0 : i32
    %add3A_101 = arith.addi %add3A, %add3A_100 : i32
    %dma_start3A_102 = arith.constant 0 : i32
    %dma_start3A_103 = arith.constant 0 : i32
    %dma_start3A_104 = tpu.memref_slice %arg5[%dma_start3A_102, %dma_start3A_103] : memref<4x256xf32, #tpu.memory_space<vmem>> -> memref<1x256xf32, #tpu.memory_space<vmem>>
    %dma_start3A_105 = tpu.memref_squeeze %dma_start3A_104 : memref<1x256xf32, #tpu.memory_space<vmem>> -> memref<256xf32, #tpu.memory_space<vmem>>
    %dma_start3A_106 = arith.constant 0 : i32
    %dma_start3A_107 = tpu.memref_slice %arg3[%add3A_101, %dma_start3A_106] : memref<64x256xf32, #tpu.memory_space<hbm>> -> memref<1x256xf32, #tpu.memory_space<hbm>>
    %dma_start3A_108 = tpu.memref_squeeze %dma_start3A_107 : memref<1x256xf32, #tpu.memory_space<hbm>> -> memref<256xf32, #tpu.memory_space<hbm>>
    %dma_start3A_109 = arith.constant 0 : i32
    %dma_start3A_110 = tpu.memref_slice %arg3[%add3A_101, %dma_start3A_109] : memref<64x256xf32, #tpu.memory_space<hbm>> -> memref<1x256xf32, #tpu.memory_space<hbm>>
    %dma_start3A_111 = tpu.memref_squeeze %dma_start3A_110 : memref<1x256xf32, #tpu.memory_space<hbm>> -> memref<256xf32, #tpu.memory_space<hbm>>
    %dma_start3A_112 = arith.constant 0 : i32
    %dma_start3A_113 = tpu.memref_slice %arg5[%dma_start3A_102, %dma_start3A_112] : memref<4x256xf32, #tpu.memory_space<vmem>> -> memref<1x256xf32, #tpu.memory_space<vmem>>
    %dma_start3A_114 = tpu.memref_squeeze %dma_start3A_113 : memref<1x256xf32, #tpu.memory_space<vmem>> -> memref<256xf32, #tpu.memory_space<vmem>>
    tpu.enqueue_dma source(%dma_start3A_114 : memref<256xf32, #tpu.memory_space<vmem>>) target(%dma_start3A_111 : memref<256xf32, #tpu.memory_space<hbm>>) target_semaphore(%arg7 : memref<!tpu.dma_semaphore, #tpu.memory_space<semaphore_mem>>)
    %add3A_115 = arith.constant 16 : i32
    %add3A_116 = arith.addi %add3A, %add3A_115 : i32
    %dma_start3A_117 = arith.constant 1 : i32
    %dma_start3A_118 = arith.constant 0 : i32
    %dma_start3A_119 = tpu.memref_slice %arg5[%dma_start3A_117, %dma_start3A_118] : memref<4x256xf32, #tpu.memory_space<vmem>> -> memref<1x256xf32, #tpu.memory_space<vmem>>
    %dma_start3A_120 = tpu.memref_squeeze %dma_start3A_119 : memref<1x256xf32, #tpu.memory_space<vmem>> -> memref<256xf32, #tpu.memory_space<vmem>>
    %dma_start3A_121 = arith.constant 0 : i32
    %dma_start3A_122 = tpu.memref_slice %arg3[%add3A_116, %dma_start3A_121] : memref<64x256xf32, #tpu.memory_space<hbm>> -> memref<1x256xf32, #tpu.memory_space<hbm>>
    %dma_start3A_123 = tpu.memref_squeeze %dma_start3A_122 : memref<1x256xf32, #tpu.memory_space<hbm>> -> memref<256xf32, #tpu.memory_space<hbm>>
    %dma_start3A_124 = arith.constant 0 : i32
    %dma_start3A_125 = tpu.memref_slice %arg3[%add3A_116, %dma_start3A_124] : memref<64x256xf32, #tpu.memory_space<hbm>> -> memref<1x256xf32, #tpu.memory_space<hbm>>
    %dma_start3A_126 = tpu.memref_squeeze %dma_start3A_125 : memref<1x256xf32, #tpu.memory_space<hbm>> -> memref<256xf32, #tpu.memory_space<hbm>>
    %dma_start3A_127 = arith.constant 0 : i32
    %dma_start3A_128 = tpu.memref_slice %arg5[%dma_start3A_117, %dma_start3A_127] : memref<4x256xf32, #tpu.memory_space<vmem>> -> memref<1x256xf32, #tpu.memory_space<vmem>>
    %dma_start3A_129 = tpu.memref_squeeze %dma_start3A_128 : memref<1x256xf32, #tpu.memory_space<vmem>> -> memref<256xf32, #tpu.memory_space<vmem>>
    tpu.enqueue_dma source(%dma_start3A_129 : memref<256xf32, #tpu.memory_space<vmem>>) target(%dma_start3A_126 : memref<256xf32, #tpu.memory_space<hbm>>) target_semaphore(%arg7 : memref<!tpu.dma_semaphore, #tpu.memory_space<semaphore_mem>>)
    %add3A_130 = arith.constant 32 : i32
    %add3A_131 = arith.addi %add3A, %add3A_130 : i32
    %dma_start3A_132 = arith.constant 2 : i32
    %dma_start3A_133 = arith.constant 0 : i32
    %dma_start3A_134 = tpu.memref_slice %arg5[%dma_start3A_132, %dma_start3A_133] : memref<4x256xf32, #tpu.memory_space<vmem>> -> memref<1x256xf32, #tpu.memory_space<vmem>>
    %dma_start3A_135 = tpu.memref_squeeze %dma_start3A_134 : memref<1x256xf32, #tpu.memory_space<vmem>> -> memref<256xf32, #tpu.memory_space<vmem>>
    %dma_start3A_136 = arith.constant 0 : i32
    %dma_start3A_137 = tpu.memref_slice %arg3[%add3A_131, %dma_start3A_136] : memref<64x256xf32, #tpu.memory_space<hbm>> -> memref<1x256xf32, #tpu.memory_space<hbm>>
    %dma_start3A_138 = tpu.memref_squeeze %dma_start3A_137 : memref<1x256xf32, #tpu.memory_space<hbm>> -> memref<256xf32, #tpu.memory_space<hbm>>
    %dma_start3A_139 = arith.constant 0 : i32
    %dma_start3A_140 = tpu.memref_slice %arg3[%add3A_131, %dma_start3A_139] : memref<64x256xf32, #tpu.memory_space<hbm>> -> memref<1x256xf32, #tpu.memory_space<hbm>>
    %dma_start3A_141 = tpu.memref_squeeze %dma_start3A_140 : memref<1x256xf32, #tpu.memory_space<hbm>> -> memref<256xf32, #tpu.memory_space<hbm>>
    %dma_start3A_142 = arith.constant 0 : i32
    %dma_start3A_143 = tpu.memref_slice %arg5[%dma_start3A_132, %dma_start3A_142] : memref<4x256xf32, #tpu.memory_space<vmem>> -> memref<1x256xf32, #tpu.memory_space<vmem>>
    %dma_start3A_144 = tpu.memref_squeeze %dma_start3A_143 : memref<1x256xf32, #tpu.memory_space<vmem>> -> memref<256xf32, #tpu.memory_space<vmem>>
    tpu.enqueue_dma source(%dma_start3A_144 : memref<256xf32, #tpu.memory_space<vmem>>) target(%dma_start3A_141 : memref<256xf32, #tpu.memory_space<hbm>>) target_semaphore(%arg7 : memref<!tpu.dma_semaphore, #tpu.memory_space<semaphore_mem>>)
    %add3A_145 = arith.constant 48 : i32
    %add3A_146 = arith.addi %add3A, %add3A_145 : i32
    %dma_start3A_147 = arith.constant 3 : i32
    %dma_start3A_148 = arith.constant 0 : i32
    %dma_start3A_149 = tpu.memref_slice %arg5[%dma_start3A_147, %dma_start3A_148] : memref<4x256xf32, #tpu.memory_space<vmem>> -> memref<1x256xf32, #tpu.memory_space<vmem>>
    %dma_start3A_150 = tpu.memref_squeeze %dma_start3A_149 : memref<1x256xf32, #tpu.memory_space<vmem>> -> memref<256xf32, #tpu.memory_space<vmem>>
    %dma_start3A_151 = arith.constant 0 : i32
    %dma_start3A_152 = tpu.memref_slice %arg3[%add3A_146, %dma_start3A_151] : memref<64x256xf32, #tpu.memory_space<hbm>> -> memref<1x256xf32, #tpu.memory_space<hbm>>
    %dma_start3A_153 = tpu.memref_squeeze %dma_start3A_152 : memref<1x256xf32, #tpu.memory_space<hbm>> -> memref<256xf32, #tpu.memory_space<hbm>>
    %dma_start3A_154 = arith.constant 0 : i32
    %dma_start3A_155 = tpu.memref_slice %arg3[%add3A_146, %dma_start3A_154] : memref<64x256xf32, #tpu.memory_space<hbm>> -> memref<1x256xf32, #tpu.memory_space<hbm>>
    %dma_start3A_156 = tpu.memref_squeeze %dma_start3A_155 : memref<1x256xf32, #tpu.memory_space<hbm>> -> memref<256xf32, #tpu.memory_space<hbm>>
    %dma_start3A_157 = arith.constant 0 : i32
    %dma_start3A_158 = tpu.memref_slice %arg5[%dma_start3A_147, %dma_start3A_157] : memref<4x256xf32, #tpu.memory_space<vmem>> -> memref<1x256xf32, #tpu.memory_space<vmem>>
    %dma_start3A_159 = tpu.memref_squeeze %dma_start3A_158 : memref<1x256xf32, #tpu.memory_space<vmem>> -> memref<256xf32, #tpu.memory_space<vmem>>
    tpu.enqueue_dma source(%dma_start3A_159 : memref<256xf32, #tpu.memory_space<vmem>>) target(%dma_start3A_156 : memref<256xf32, #tpu.memory_space<hbm>>) target_semaphore(%arg7 : memref<!tpu.dma_semaphore, #tpu.memory_space<semaphore_mem>>)
    %dma_wait3A_160 = arith.constant 0 : i32
    %dma_wait3A_161 = arith.constant 0 : i32
    %dma_wait3A_162 = tpu.memref_slice %arg5[%dma_wait3A_160, %dma_wait3A_161] : memref<4x256xf32, #tpu.memory_space<vmem>> -> memref<1x256xf32, #tpu.memory_space<vmem>>
    %dma_wait3A_163 = tpu.memref_squeeze %dma_wait3A_162 : memref<1x256xf32, #tpu.memory_space<vmem>> -> memref<256xf32, #tpu.memory_space<vmem>>
    %dma_wait3A_164 = arith.constant 0 : i32
    %dma_wait3A_165 = tpu.memref_slice %arg3[%add3A_101, %dma_wait3A_164] : memref<64x256xf32, #tpu.memory_space<hbm>> -> memref<1x256xf32, #tpu.memory_space<hbm>>
    %dma_wait3A_166 = tpu.memref_squeeze %dma_wait3A_165 : memref<1x256xf32, #tpu.memory_space<hbm>> -> memref<256xf32, #tpu.memory_space<hbm>>
    %dma_wait3A_167 = arith.constant 0 : i32
    %dma_wait3A_168 = tpu.memref_slice %arg3[%add3A_101, %dma_wait3A_167] : memref<64x256xf32, #tpu.memory_space<hbm>> -> memref<1x256xf32, #tpu.memory_space<hbm>>
    %dma_wait3A_169 = tpu.memref_squeeze %dma_wait3A_168 : memref<1x256xf32, #tpu.memory_space<hbm>> -> memref<256xf32, #tpu.memory_space<hbm>>
    %dma_wait3A_170 = arith.constant 0 : i32
    %dma_wait3A_171 = tpu.memref_slice %arg5[%dma_wait3A_160, %dma_wait3A_170] : memref<4x256xf32, #tpu.memory_space<vmem>> -> memref<1x256xf32, #tpu.memory_space<vmem>>
    %dma_wait3A_172 = tpu.memref_squeeze %dma_wait3A_171 : memref<1x256xf32, #tpu.memory_space<vmem>> -> memref<256xf32, #tpu.memory_space<vmem>>
    tpu.wait_dma2 semaphore(%arg7 : memref<!tpu.dma_semaphore, #tpu.memory_space<semaphore_mem>>) src(%dma_wait3A_172 : memref<256xf32, #tpu.memory_space<vmem>>) dst(%dma_wait3A_169 : memref<256xf32, #tpu.memory_space<hbm>>)
    %dma_wait3A_173 = arith.constant 1 : i32
    %dma_wait3A_174 = arith.constant 0 : i32
    %dma_wait3A_175 = tpu.memref_slice %arg5[%dma_wait3A_173, %dma_wait3A_174] : memref<4x256xf32, #tpu.memory_space<vmem>> -> memref<1x256xf32, #tpu.memory_space<vmem>>
    %dma_wait3A_176 = tpu.memref_squeeze %dma_wait3A_175 : memref<1x256xf32, #tpu.memory_space<vmem>> -> memref<256xf32, #tpu.memory_space<vmem>>
    %dma_wait3A_177 = arith.constant 0 : i32
    %dma_wait3A_178 = tpu.memref_slice %arg3[%add3A_116, %dma_wait3A_177] : memref<64x256xf32, #tpu.memory_space<hbm>> -> memref<1x256xf32, #tpu.memory_space<hbm>>
    %dma_wait3A_179 = tpu.memref_squeeze %dma_wait3A_178 : memref<1x256xf32, #tpu.memory_space<hbm>> -> memref<256xf32, #tpu.memory_space<hbm>>
    %dma_wait3A_180 = arith.constant 0 : i32
    %dma_wait3A_181 = tpu.memref_slice %arg3[%add3A_116, %dma_wait3A_180] : memref<64x256xf32, #tpu.memory_space<hbm>> -> memref<1x256xf32, #tpu.memory_space<hbm>>
    %dma_wait3A_182 = tpu.memref_squeeze %dma_wait3A_181 : memref<1x256xf32, #tpu.memory_space<hbm>> -> memref<256xf32, #tpu.memory_space<hbm>>
    %dma_wait3A_183 = arith.constant 0 : i32
    %dma_wait3A_184 = tpu.memref_slice %arg5[%dma_wait3A_173, %dma_wait3A_183] : memref<4x256xf32, #tpu.memory_space<vmem>> -> memref<1x256xf32, #tpu.memory_space<vmem>>
    %dma_wait3A_185 = tpu.memref_squeeze %dma_wait3A_184 : memref<1x256xf32, #tpu.memory_space<vmem>> -> memref<256xf32, #tpu.memory_space<vmem>>
    tpu.wait_dma2 semaphore(%arg7 : memref<!tpu.dma_semaphore, #tpu.memory_space<semaphore_mem>>) src(%dma_wait3A_185 : memref<256xf32, #tpu.memory_space<vmem>>) dst(%dma_wait3A_182 : memref<256xf32, #tpu.memory_space<hbm>>)
    %dma_wait3A_186 = arith.constant 2 : i32
    %dma_wait3A_187 = arith.constant 0 : i32
    %dma_wait3A_188 = tpu.memref_slice %arg5[%dma_wait3A_186, %dma_wait3A_187] : memref<4x256xf32, #tpu.memory_space<vmem>> -> memref<1x256xf32, #tpu.memory_space<vmem>>
    %dma_wait3A_189 = tpu.memref_squeeze %dma_wait3A_188 : memref<1x256xf32, #tpu.memory_space<vmem>> -> memref<256xf32, #tpu.memory_space<vmem>>
    %dma_wait3A_190 = arith.constant 0 : i32
    %dma_wait3A_191 = tpu.memref_slice %arg3[%add3A_131, %dma_wait3A_190] : memref<64x256xf32, #tpu.memory_space<hbm>> -> memref<1x256xf32, #tpu.memory_space<hbm>>
    %dma_wait3A_192 = tpu.memref_squeeze %dma_wait3A_191 : memref<1x256xf32, #tpu.memory_space<hbm>> -> memref<256xf32, #tpu.memory_space<hbm>>
    %dma_wait3A_193 = arith.constant 0 : i32
    %dma_wait3A_194 = tpu.memref_slice %arg3[%add3A_131, %dma_wait3A_193] : memref<64x256xf32, #tpu.memory_space<hbm>> -> memref<1x256xf32, #tpu.memory_space<hbm>>
    %dma_wait3A_195 = tpu.memref_squeeze %dma_wait3A_194 : memref<1x256xf32, #tpu.memory_space<hbm>> -> memref<256xf32, #tpu.memory_space<hbm>>
    %dma_wait3A_196 = arith.constant 0 : i32
    %dma_wait3A_197 = tpu.memref_slice %arg5[%dma_wait3A_186, %dma_wait3A_196] : memref<4x256xf32, #tpu.memory_space<vmem>> -> memref<1x256xf32, #tpu.memory_space<vmem>>
    %dma_wait3A_198 = tpu.memref_squeeze %dma_wait3A_197 : memref<1x256xf32, #tpu.memory_space<vmem>> -> memref<256xf32, #tpu.memory_space<vmem>>
    tpu.wait_dma2 semaphore(%arg7 : memref<!tpu.dma_semaphore, #tpu.memory_space<semaphore_mem>>) src(%dma_wait3A_198 : memref<256xf32, #tpu.memory_space<vmem>>) dst(%dma_wait3A_195 : memref<256xf32, #tpu.memory_space<hbm>>)
    %dma_wait3A_199 = arith.constant 3 : i32
    %dma_wait3A_200 = arith.constant 0 : i32
    %dma_wait3A_201 = tpu.memref_slice %arg5[%dma_wait3A_199, %dma_wait3A_200] : memref<4x256xf32, #tpu.memory_space<vmem>> -> memref<1x256xf32, #tpu.memory_space<vmem>>
    %dma_wait3A_202 = tpu.memref_squeeze %dma_wait3A_201 : memref<1x256xf32, #tpu.memory_space<vmem>> -> memref<256xf32, #tpu.memory_space<vmem>>
    %dma_wait3A_203 = arith.constant 0 : i32
    %dma_wait3A_204 = tpu.memref_slice %arg3[%add3A_146, %dma_wait3A_203] : memref<64x256xf32, #tpu.memory_space<hbm>> -> memref<1x256xf32, #tpu.memory_space<hbm>>
    %dma_wait3A_205 = tpu.memref_squeeze %dma_wait3A_204 : memref<1x256xf32, #tpu.memory_space<hbm>> -> memref<256xf32, #tpu.memory_space<hbm>>
    %dma_wait3A_206 = arith.constant 0 : i32
    %dma_wait3A_207 = tpu.memref_slice %arg3[%add3A_146, %dma_wait3A_206] : memref<64x256xf32, #tpu.memory_space<hbm>> -> memref<1x256xf32, #tpu.memory_space<hbm>>
    %dma_wait3A_208 = tpu.memref_squeeze %dma_wait3A_207 : memref<1x256xf32, #tpu.memory_space<hbm>> -> memref<256xf32, #tpu.memory_space<hbm>>
    %dma_wait3A_209 = arith.constant 0 : i32
    %dma_wait3A_210 = tpu.memref_slice %arg5[%dma_wait3A_199, %dma_wait3A_209] : memref<4x256xf32, #tpu.memory_space<vmem>> -> memref<1x256xf32, #tpu.memory_space<vmem>>
    %dma_wait3A_211 = tpu.memref_squeeze %dma_wait3A_210 : memref<1x256xf32, #tpu.memory_space<vmem>> -> memref<256xf32, #tpu.memory_space<vmem>>
    tpu.wait_dma2 semaphore(%arg7 : memref<!tpu.dma_semaphore, #tpu.memory_space<semaphore_mem>>) src(%dma_wait3A_211 : memref<256xf32, #tpu.memory_space<vmem>>) dst(%dma_wait3A_208 : memref<256xf32, #tpu.memory_space<hbm>>)
    return
  }
}

module attributes {stable_mosaic.version = 14 : i64} {
  func.func @_loss_tc_kernel(%arg0: memref<2048x256xf32, #tpu.memory_space<vmem>>, %arg1: memref<64x256xf32, #tpu.memory_space<vmem>>, %arg2: memref<1x1xf32, #tpu.memory_space<vmem>>) attributes {dimension_semantics = [], scalar_prefetch = 0 : i64, scratch_operands = 0 : i64, tpu.core_type = #tpu.core_type<tc>} {
    %get3A = arith.constant 0 : index
    %get3A_0 = arith.constant 0 : index
    %get3A_1 = vector.load %arg0[%get3A, %get3A_0] : memref<2048x256xf32, #tpu.memory_space<vmem>>, vector<2048x256xf32>
    %get3A_2 = arith.constant 0 : index
    %get3A_3 = arith.constant 0 : index
    %get3A_4 = vector.load %arg1[%get3A_2, %get3A_3] : memref<64x256xf32, #tpu.memory_space<vmem>>, vector<64x256xf32>
    %broadcast_in_dim3A = arith.constant 1.000000e+00 : f32
    %broadcast_in_dim3A_5 = vector.broadcast %broadcast_in_dim3A : f32 to vector<1x256xf32>
    %mul3A = arith.mulf %get3A_4, %get3A_4 : vector<64x256xf32>
    %dot_general3A = arith.constant dense<0.000000e+00> : vector<1x64xf32>
    %dot_general3A_6 = tpu.matmul %broadcast_in_dim3A_5, %mul3A, %dot_general3A {dimension_numbers = #tpu.dot_dimension_numbers<[1], [1], [0], [0], [0, 0, 1, 0], [], []>, transpose_lhs_hint = false} : vector<1x256xf32>, vector<64x256xf32>, vector<1x64xf32> -> vector<1x64xf32>
    %dot_general3A_7 = arith.constant dense<0.000000e+00> : vector<2048x64xf32>
    %dot_general3A_8 = tpu.matmul %get3A_1, %get3A_4, %dot_general3A_7 {dimension_numbers = #tpu.dot_dimension_numbers<[1], [1], [0], [0], [0, 0, 1, 0], [], []>, transpose_lhs_hint = false} : vector<2048x256xf32>, vector<64x256xf32>, vector<2048x64xf32> -> vector<2048x64xf32>
    %mul3A_9 = arith.constant 2.000000e+00 : f32
    %mul3A_10 = vector.broadcast %mul3A_9 : f32 to vector<2048x64xf32>
    %mul3A_11 = arith.mulf %mul3A_10, %dot_general3A_8 : vector<2048x64xf32>
    %sub3A = vector.broadcast %dot_general3A_6 : vector<1x64xf32> to vector<2048x64xf32>
    %sub3A_12 = arith.subf %mul3A_11, %sub3A : vector<2048x64xf32>
    %reduce_max3A = arith.constant dense<0xFF800000> : vector<2048xf32>
    %reduce_max3A_13 = vector.multi_reduction <maximumf>, %sub3A_12, %reduce_max3A [1] : vector<2048x64xf32> to vector<2048xf32>
    %broadcast_in_dim3A_14 = vector.shape_cast %reduce_max3A_13 : vector<2048xf32> to vector<2048x1xf32>
    %sub3A_15 = vector.broadcast %broadcast_in_dim3A_14 : vector<2048x1xf32> to vector<2048x64xf32>
    %sub3A_16 = arith.subf %sub3A_12, %sub3A_15 : vector<2048x64xf32>
    %exp3A = math.exp %sub3A_16 : vector<2048x64xf32>
    %reduce_sum3A = arith.constant dense<0.000000e+00> : vector<2048xf32>
    %reduce_sum3A_17 = vector.multi_reduction <add>, %exp3A, %reduce_sum3A [1] : vector<2048x64xf32> to vector<2048xf32>
    %broadcast_in_dim3A_18 = vector.shape_cast %reduce_sum3A_17 : vector<2048xf32> to vector<2048x1xf32>
    %log3A = math.log %broadcast_in_dim3A_18 : vector<2048x1xf32>
    %add3A = arith.addf %broadcast_in_dim3A_14, %log3A : vector<2048x1xf32>
    %iota3A = tpu.iota {dimensions = array<i32: 0>} : vector<2048x64xi32>
    %iota3A_19 = tpu.iota {dimensions = array<i32: 1>} : vector<2048x64xi32>
    %jit3A = arith.constant 32 : i32
    %div3A = vector.broadcast %jit3A : i32 to vector<2048x64xi32>
    %div3A_20 = arith.divsi %iota3A, %div3A : vector<2048x64xi32>
    %sign3A = arith.constant 0 : i32
    %sign3A_21 = vector.broadcast %sign3A : i32 to vector<2048x64xi32>
    %sign3A_22 = arith.cmpi sgt, %iota3A, %sign3A_21 : vector<2048x64xi32>
    %sign3A_23 = arith.extui %sign3A_22 : vector<2048x64xi1> to vector<2048x64xi32>
    %sign3A_24 = arith.constant 0 : i32
    %sign3A_25 = vector.broadcast %sign3A_24 : i32 to vector<2048x64xi32>
    %sign3A_26 = arith.cmpi slt, %iota3A, %sign3A_25 : vector<2048x64xi32>
    %sign3A_27 = arith.extui %sign3A_26 : vector<2048x64xi1> to vector<2048x64xi32>
    %sign3A_28 = arith.subi %sign3A_23, %sign3A_27 : vector<2048x64xi32>
    %sign3A_29 = arith.constant 0 : i32
    %sign3A_30 = arith.cmpi sgt, %jit3A, %sign3A_29 : i32
    %sign3A_31 = arith.extui %sign3A_30 : i1 to i32
    %sign3A_32 = arith.constant 0 : i32
    %sign3A_33 = arith.cmpi slt, %jit3A, %sign3A_32 : i32
    %sign3A_34 = arith.extui %sign3A_33 : i1 to i32
    %sign3A_35 = arith.subi %sign3A_31, %sign3A_34 : i32
    %ne3A = vector.broadcast %sign3A_35 : i32 to vector<2048x64xi32>
    %ne3A_36 = arith.cmpi ne, %sign3A_28, %ne3A : vector<2048x64xi32>
    %rem3A = vector.broadcast %jit3A : i32 to vector<2048x64xi32>
    %rem3A_37 = arith.remsi %iota3A, %rem3A : vector<2048x64xi32>
    %ne3A_38 = arith.constant 0 : i32
    %ne3A_39 = vector.broadcast %ne3A_38 : i32 to vector<2048x64xi32>
    %ne3A_40 = arith.cmpi ne, %rem3A_37, %ne3A_39 : vector<2048x64xi32>
    %and3A = arith.andi %ne3A_36, %ne3A_40 : vector<2048x64xi1>
    %sub3A_41 = arith.constant 1 : i32
    %sub3A_42 = vector.broadcast %sub3A_41 : i32 to vector<2048x64xi32>
    %sub3A_43 = arith.subi %div3A_20, %sub3A_42 : vector<2048x64xi32>
    %select_n3A = arith.select %and3A, %sub3A_43, %div3A_20 : vector<2048x64xi1>, vector<2048x64xi32>
    %eq3A = arith.cmpi eq, %iota3A_19, %select_n3A : vector<2048x64xi32>
    %jit3A_44 = arith.constant 0.000000e+00 : f32
    %broadcast_in_dim3A_45 = vector.broadcast %jit3A_44 : f32 to vector<2048x64xf32>
    %select_n3A_46 = arith.select %eq3A, %sub3A_12, %broadcast_in_dim3A_45 : vector<2048x64xi1>, vector<2048x64xf32>
    %reduce_sum3A_47 = arith.constant dense<0.000000e+00> : vector<2048xf32>
    %reduce_sum3A_48 = vector.multi_reduction <add>, %select_n3A_46, %reduce_sum3A_47 [1] : vector<2048x64xf32> to vector<2048xf32>
    %broadcast_in_dim3A_49 = vector.shape_cast %reduce_sum3A_48 : vector<2048xf32> to vector<2048x1xf32>
    %sub3A_50 = arith.subf %add3A, %broadcast_in_dim3A_49 : vector<2048x1xf32>
    %iota3A_51 = tpu.iota {dimensions = array<i32: 0>} : vector<2048x1xi32>
    %jit3A_52 = arith.constant 32 : i32
    %eq3A_53 = arith.constant 0 : i32
    %eq3A_54 = arith.cmpi eq, %jit3A_52, %eq3A_53 : i32
    %jit3A_55 = arith.constant 1 : i32
    %select_n3A_56 = arith.select %eq3A_54, %jit3A_55, %jit3A_52 : i32
    %rem3A_57 = vector.broadcast %select_n3A_56 : i32 to vector<2048x1xi32>
    %rem3A_58 = arith.remsi %iota3A_51, %rem3A_57 : vector<2048x1xi32>
    %ne3A_59 = arith.constant 0 : i32
    %ne3A_60 = vector.broadcast %ne3A_59 : i32 to vector<2048x1xi32>
    %ne3A_61 = arith.cmpi ne, %rem3A_58, %ne3A_60 : vector<2048x1xi32>
    %lt3A = arith.constant 0 : i32
    %lt3A_62 = vector.broadcast %lt3A : i32 to vector<2048x1xi32>
    %lt3A_63 = arith.cmpi slt, %rem3A_58, %lt3A_62 : vector<2048x1xi32>
    %lt3A_64 = arith.constant 0 : i32
    %lt3A_65 = arith.cmpi slt, %select_n3A_56, %lt3A_64 : i32
    %ne3A_66 = vector.broadcast %lt3A_65 : i1 to vector<2048x1xi1>
    %ne3A_67 = vector.broadcast %ne3A_66 : vector<2048x1xi1> to vector<2048x1xi1>
    %ne3A_68 = arith.xori %lt3A_63, %ne3A_67 : vector<2048x1xi1>
    %and3A_69 = arith.andi %ne3A_68, %ne3A_61 : vector<2048x1xi1>
    %add3A_70 = vector.broadcast %select_n3A_56 : i32 to vector<2048x1xi32>
    %add3A_71 = arith.addi %rem3A_58, %add3A_70 : vector<2048x1xi32>
    %select_n3A_72 = arith.select %and3A_69, %add3A_71, %rem3A_58 : vector<2048x1xi1>, vector<2048x1xi32>
    %ge3A = arith.constant 8 : i32
    %ge3A_73 = vector.broadcast %ge3A : i32 to vector<2048x1xi32>
    %ge3A_74 = arith.cmpi sge, %select_n3A_72, %ge3A_73 : vector<2048x1xi32>
    %jit3A_75 = arith.constant 0.000000e+00 : f32
    %broadcast_in_dim3A_76 = vector.broadcast %jit3A_75 : f32 to vector<2048x1xf32>
    %select_n3A_77 = arith.select %ge3A_74, %sub3A_50, %broadcast_in_dim3A_76 : vector<2048x1xi1>, vector<2048x1xf32>
    %reduce_sum3A_78 = arith.constant dense<0.000000e+00> : vector<1xf32>
    %reduce_sum3A_79 = vector.multi_reduction <add>, %select_n3A_77, %reduce_sum3A_78 [0] : vector<2048x1xf32> to vector<1xf32>
    %broadcast_in_dim3A_80 = vector.shape_cast %reduce_sum3A_79 : vector<1xf32> to vector<1x1xf32>
    %div3A_81 = arith.constant 1.536000e+03 : f32
    %div3A_82 = vector.broadcast %div3A_81 : f32 to vector<1x1xf32>
    %div3A_83 = arith.divf %broadcast_in_dim3A_80, %div3A_82 : vector<1x1xf32>
    %swap3A = arith.constant 0 : index
    %swap3A_84 = arith.constant 0 : index
    %swap3A_85 = vector.load %arg2[%swap3A, %swap3A_84] : memref<1x1xf32, #tpu.memory_space<vmem>>, vector<1x1xf32>
    tpu.vector_store %arg2[%swap3A, %swap3A_84], %div3A_83 {strides = array<i32>} : memref<1x1xf32, #tpu.memory_space<vmem>>, vector<1x1xf32>,
    return
  }
}

</mosaic_0001>

<sc_bundles>
// kernel: kernel.4.cloned.1.call-start
scs
__scs_entry_jumppad:
0x0: {  	(pc) =	sbr.rel $0x88, $3  }
0x1: {  	(tag) =	ssettag $0x0;
	lr =	simm.s32 $0x1  }
0x2: {  	[smem:$0x3FA0] =	sst lr;
	_ =	strace $0xD0000000  }
0x3: {  	_ = 	snop  }
0x4: {  	_ = 	snop  }
0x5: {  	_ = 	snop  }
0x6: {  	_ = 	snop  }
0x7: {  	_ = 	snop  }
__scs_overlays_trampoline_lowered:
0x8: {  	[smem:$0x3FAF] =	sst s0  }
0x9: {  	[smem:$0x3FB0] =	sst s1  }
0xa: {  	[smem:$0x3FB1] =	sst s2  }
0xb: {  	[smem:$0x3FB2] =	sst s3  }
0xc: {  	[smem:$0x3FB3] =	sst s4  }
0xd: {  	[smem:$0x3FB4] =	sst s5  }
0xe: {  	[smem:$0x3FB5] =	sst s6  }
0xf: {  	[smem:$0x3FB6] =	sst s7  }
0x10: {  	[smem:$0x3FB7] =	sst s8  }
0x11: {  	[smem:$0x3FB8] =	sst s9;
	s0 =	simm.s32 @!p0 $0x0  }
0x12: {  	s1 =	sld [smem:$0x3F9E];
	s0 =	simm.s32 @p0 $0x1  }
0x13: {  	[smem:$0x3FB9] =	sst s0;
	s0 =	simm.s32 @!p1 $0x0  }
0x14: {  	s2 =	sld [smem:$0x3F9D];
	s0 =	simm.s32 @p1 $0x1  }
0x15: {  	[smem:$0x3FBA] =	sst s0;
	s0 =	simm.s32 @!p2 $0x0  }
0x16: {  	s3 =	sld [smem:$0x3FDB];
	s0 =	simm.s32 @p2 $0x1  }
0x17: {  	s4 =	simm.s32 $0x1BF5;
	[smem:$0x3FBC] =	sst s0  }
0x18: {  	s0 =	sld [smem:$0x3F9F];
	_ =	swait.ge [sflag:s4], $0x0  }
0x19: {  	s7 =	sld [smem:$0x3FA0]  }
0x1a: {  	s8 =	sadd.s32 $0xFFFFE003, lr  }
0x1b: {  	s9 =	sadd.s32 $0xFFFFFEF7, lr;
	s5 =	simm.s32 $0xFFFFFFFF;
	p2 =	slt.u32 s8, $0xFFFFF086  }
0x1c: {  	p1 =	slt.u32 s9, $0xF7A;
	s5 =	simm.s32 @!p2 $0x0  }
0x1d: {  	s5 =	simm.s32 @p1 $0x1;
	p0 =	seq.s32 s7, s2  }
0x1e: {  	s7 =	smul.u32 @!p0 $0xF7A, s2;
	p2 =	seq.s32 @!p0 s5, $0x0  }
0x1f: {  	s9 =	smul.u32 $0xF7A, s1;
	s8 =	simm.s32 @!p0 $0x1BF5;
	p2 =	por !p2, p0  }
0x20: {  	[sflag:s8] =	ssyncset.s32 @!p0 $0xFFFFF086;
	s6 =	sadd.s32 @!p0 s3, s7;
	s7 =	simm.s32 @!p0 $0x108  }
0x21: {  	s3 =	sadd.s32 s3, s9;
	s6 =	sadd.s32 @!p0 $0x88, s6;
	s7 =	simm.s32 @p2 $0x1082  }
0x22: {  	[simem:s7], [sflag:s8] =	dma.local @!p0 [hbm:s6], $0xF7A  }
0x23: {  	s9 =	sor.u32 $0xD0000000, s2;
	s6 =	simm.s32 $0x108;
	_ =	swait.ge @!p0 [sflag:s8], $0x0  }
0x24: {  	s3 =	sadd.s32 $0x88, s3;
	s6 =	simm.s32 @!p1 $0x1082;
	[sflag:s4] =	ssyncset.s32 $0xFFFFF086  }
0x25: {  	[simem:s6], [sflag:s4] =	dma.local [hbm:s3], $0xF7A  }
0x26: {  	[smem:$0x3FA0] =	sst s1;
	(tag) =	ssettag s2;
	_ =	strace s9  }
0x27: {  	s1 =	sld [smem:$0x3FB0]  }
0x28: {  	s2 =	sld [smem:$0x3FB1]  }
0x29: {  	s4 =	sld [smem:$0x3FB3]  }
0x2a: {  	p0 =	seq.s32 s5, $0x0;
	s5 =	sld [smem:$0x3FB4]  }
0x2b: {  	s6 =	sld [smem:$0x3FB5]  }
0x2c: {  	s7 =	sld [smem:$0x3FB6]  }
0x2d: {  	s3 =	simm.s32 $0x108;
	s8 =	sld [smem:$0x3FB7]  }
0x2e: {  	s3 =	simm.s32 @!p0 $0x1082;
	s9 =	sld [smem:$0x3FB8]  }
0x2f: {  	lr =	sadd.s32 s0, s3;
	s0 =	sld [smem:$0x3FAF]  }
0x30: {  	s3 =	sld [smem:$0x3FB2]  }
0x31: {  	[smem:$0x3FBB] =	sst s10  }
0x32: {  	s10 =	sld [smem:$0x3FB9];
	_ =	sdelay $0x3  }
0x33: {  	p0 =	seq.s32 s10, $0x1;
	s10 =	sld [smem:$0x3FBB];
	_ =	sdelay $0x3  }
0x34: {  	[smem:$0x3FBB] =	sst s10  }
0x35: {  	s10 =	sld [smem:$0x3FBA];
	_ =	sdelay $0x3  }
0x36: {  	p1 =	seq.s32 s10, $0x1;
	s10 =	sld [smem:$0x3FBB];
	_ =	sdelay $0x3  }
0x37: {  	[smem:$0x3FBB] =	sst s10  }
0x38: {  	s10 =	sld [smem:$0x3FBC]  }
0x39: {  	_ = 	snop;
	(pc) =	sbr.ind lr, $3  }
0x3a: {  	_ = 	snop  }
0x3b: {  	_ = 	snop  }
0x3c: {  	p2 =	seq.s32 s10, $0x1;
	s10 =	sld [smem:$0x3FBB]  }
0x3d: {  	_ =	shalt  }
0x3e: {  	_ =	shalt  }
0x3f: {  	_ =	shalt  }
0x40: {  	_ =	shalt  }
0x41: {  	_ =	shalt  }
0x42: {  	_ =	shalt  }
0x43: {  	_ =	shalt  }
0x44: {  	_ =	shalt  }
0x45: {  	_ =	shalt  }
0x46: {  	_ =	shalt  }
0x47: {  	_ =	shalt  }
0x48: {  	_ =	shalt  }
0x49: {  	_ =	shalt  }
0x4a: {  	_ =	shalt  }
0x4b: {  	_ =	shalt  }
0x4c: {  	_ =	shalt  }
0x4d: {  	_ =	shalt  }
0x4e: {  	_ =	shalt  }
0x4f: {  	_ =	shalt  }
0x50: {  	_ =	shalt  }
0x51: {  	_ =	shalt  }
0x52: {  	_ =	shalt  }
0x53: {  	_ =	shalt  }
0x54: {  	_ =	shalt  }
0x55: {  	_ =	shalt  }
0x56: {  	_ =	shalt  }
0x57: {  	_ =	shalt  }
0x58: {  	_ =	shalt  }
0x59: {  	_ =	shalt  }
0x5a: {  	_ =	shalt  }
0x5b: {  	_ =	shalt  }
0x5c: {  	_ =	shalt  }
0x5d: {  	_ =	shalt  }
0x5e: {  	_ =	shalt  }
0x5f: {  	_ =	shalt  }
0x60: {  	_ =	shalt  }
0x61: {  	_ =	shalt  }
0x62: {  	_ =	shalt  }
0x63: {  	_ =	shalt  }
0x64: {  	_ =	shalt  }
0x65: {  	_ =	shalt  }
0x66: {  	_ =	shalt  }
0x67: {  	_ =	shalt  }
0x68: {  	_ =	shalt  }
0x69: {  	_ =	shalt  }
0x6a: {  	_ =	shalt  }
0x6b: {  	_ =	shalt  }
0x6c: {  	_ =	shalt  }
0x6d: {  	_ =	shalt  }
0x6e: {  	_ =	shalt  }
0x6f: {  	_ =	shalt  }
0x70: {  	_ =	shalt  }
0x71: {  	_ =	shalt  }
0x72: {  	_ =	shalt  }
0x73: {  	_ =	shalt  }
0x74: {  	_ =	shalt  }
0x75: {  	_ =	shalt  }
0x76: {  	_ =	shalt  }
0x77: {  	_ =	shalt  }
0x78: {  	_ =	shalt  }
0x79: {  	_ =	shalt  }
0x7a: {  	_ =	shalt  }
0x7b: {  	_ =	shalt  }
0x7c: {  	_ =	shalt  }
0x7d: {  	_ =	shalt  }
0x7e: {  	_ =	shalt  }
0x7f: {  	_ =	shalt  }
0x80: {  	_ =	shalt  }
0x81: {  	_ =	shalt  }
0x82: {  	_ =	shalt  }
0x83: {  	_ =	shalt  }
0x84: {  	_ =	shalt  }
0x85: {  	_ =	shalt  }
0x86: {  	_ =	shalt  }
0x87: {  	_ =	shalt  }
.Lfunc_end0:
.L_simem_size_0:
called_computation_lowered:
.L_overlay_start_0:
0x88: {  	s0 =	sld [smem:$0x3FD9]  }
0x89: {  	s1 =	sld [smem:$0x3FFE];
	_ =	sdelay $0x3  }
0x8a: {  	s0 =	sadd.s32 s1, s0  }
0x8b: {  	[smem:$0x3FC7] =	sst s0  }
0x8c: {  	_ = 	snop  }
0x8d: {  	s0 =	sld [smem:$0x3FC9];
	(tm) =	ssettm $0x1  }
0x8e: {  	s16 =	sld [smem:$0x3FFB];
	_ =	sdelay $0x3  }
0x8f: {  	_ =	strace s16  }
0x90: {  	s1 =	sld [smem:$0x3FFC];
	_ =	sdelay $0x3  }
0x91: {  	_ =	strace s1  }
0x92: {  	s1 =	sld [smem:$0x3FFD];
	_ =	sdelay $0x3  }
0x93: {  	_ =	strace s1  }
0x94: {  	_ =	strace $0x8FFFFFFF  }
0x95: {  	s17 =	sld [smem:$0x3FDB];
	_ =	sdelay $0x1  }
0x96: {  	s2 =	simm.s32 $_scs_section_size  }
0x97: {  	s3 =	simm.s32 $_size__tile_overlayer_lowered;
	s4 =	simm.s32 $_tile_overlayer_lowered  }
0x98: {  	s20 =	simm.s32 $0x1BFF;
	s19 =	sshll.u32 s4, $0x1;
	s1 =	sadd.s32 s2, s17  }
0x99: {  	s5 =	simm.s32 $0x0;
	s18 =	sshll.u32 s3, $0x1;
	s3 =	sadd.s32 s19, s1  }
0x9a: {  	[timem:s5], [sflag:s20] =	dma.local [hbm:s3], s18  }
0x9b: {  	_ =	swait.ge [sflag:s20], s18  }
0x9c: {  	s2 =	ssub.s32 $0x0, s18;
	[sflag:s20] =	ssyncset.done $0x0  }
0x9d: {  	[sflag:s20] =	ssyncadd.s32 s2;
	_ =	sdelay $0x1  }
0x9e: {  	s21 =	simm.s32 $0x1B8B  }
0x9f: {  	_ =	swait.ge [sflag:s21], $0x1  }
0xa0: {  	[sflag:s21] =	ssyncset.done $0x0  }
0xa1: {  	s23 =	simm.s32 $0x1B8E;
	s22 =	sld [smem:$0x3FFE];
	[sflag:s21] =	ssyncadd.s32 $0xFFFFFFFF  }
0xa2: {  	s24 =	simm.s32 $execute0_lowered;
	[smem:$0x3FD2] =	sst s23  }
0xa3: {  	s3 =	sshll.u32 s24, $0x1;
	_ =	strace $0x80000046;
	[dreg:$0x1] =	wrdreg $0xFFFFFFFF  }
0xa4: {  	s25 =	simm.s32 $_size_execute0_lowered;
	s1 =	sadd.s32 s1, s3;
	[dreg:$0x0] =	wrdreg $0x0  }
0xa5: {  	s3 =	sshll.u32 s25, $0x1;
	[dreg:$0x2] =	wrdreg s1  }
0xa6: {  	[dreg:$0x3] =	wrdreg s3  }
0xa7: {  	[dreg:$0x4] =	wrdreg $0xC0  }
0xa8: {  	_ =	task [dreg:s5], $0x5FFFF  }
0xa9: {  	[dreg:$0x1] =	wrdreg $0xFFFFFFFF  }
0xaa: {  	[dreg:$0x0] =	wrdreg $0x60  }
0xab: {  	[dreg:$0x2] =	wrdreg s0  }
0xac: {  	[dreg:$0x3] =	wrdreg s22  }
0xad: {  	[dreg:$0x4] =	wrdreg $0x9  }
0xae: {  	_ =	task.clear_ibuf [dreg:s5], $0x5FFFF;
	_ =	strace $0x90000046  }
0xaf: {  	s26 =	simm.s32 $0x9;
	_ =	strace $0x80000048  }
0xb0: {  	_ =	swait.ge [sflag:s26], $0x1  }
0xb1: {  	[sflag:s26] =	ssyncadd.s32 $0xFFFFFFFF  }
0xb2: {  	_ =	strace $0x90000048  }
0xb3: {  	_ =	sfence  }
0xb4: {  	s28 =	sld [smem:$0x0];
	_ =	sdelay $0x1  }
0xb5: {  	s29 =	srdreg.scid  }
0xb6: {  	s30 =	sshll.u32 s29, $0xD;
	s31 =	sshrl.u32 s29, $0x2  }
0xb7: {  	s2 =	sand.u32 $0x4000, s30;
	s1 =	sand.u32 $0x1, s29;
	s0 =	sadd.s32 s31, s28  }
0xb8: {  	s1 =	sor.u32 s2, s1;
	s0 =	sshll.u32 s0, $0x11  }
0xb9: {  	s0 =	sor.u32 s0, s1  }
0xba: {  	s0 =	sadd.s32 $0x8F2B, s0  }
0xbb: {  	[sflag:s0] =	ssyncadd.remote.s32 $0x1  }
0xbc: {  	_ =	sfence.sel $0xFFFF  }
0xbd: {  	[dreg:$0x0] =	wrdreg $0xFFFFFFFF;
	(pc) =	sbr.abs _section_cstart, $3  }
0xbe: {  	[dreg:$0x1] =	wrdreg $0xFFFFFFFF  }
0xbf: {  	_ =	task.clear_ibuf [dreg:s5], $0x2FFFF;
	_ =	strace $0x9FFFFFFF  }
0xc0: {  	(tm) =	ssettm $0x7FFFFFFF  }
0xc1: {  	_ =	shalt  }
tec
execute0_lowered:
.L_overlay_start_1:
0x0: {  	(tag) =	ssettag $0x1  }
0x1: {  	s7 =	rddreg [dreg:$0x0]  }
0x2: {  	s6 =	rddreg [dreg:$0x1]  }
0x3: {  	s0 =	rddreg [dreg:$0x2];
	s5 =	simm.s32 $0x0;
	s1 =	stileid.u32  }
0x4: {  	[smem:$0x7FF] =	sst s5;
	s4 =	sor.u32 $0x10, s1  }
0x5: {  	s2 =	sshll.u32 s1, $0xA;
	_ =	strace $0x80000047;
	s3 =	sshll.u32 s4, $0xA  }
0x6: {  	s2 =	sadd.s32 s7, s2;
	s8 =	sadd.s32 s7, s3;
	s3 =	sor.u32 $0x20, s1  }
0x7: {  	[tilespmem:s5], [sflag:$0x1] =	stream.linear.gather [hbm4b:s2+s5], $0x800, $0x38;
	[tilespmem:$0x2400] =	vst v63  }
0x8: {  	s10 =	simm.s32 $0x800;
	s2 =	sor.u32 $0x30, s1;
	s9 =	sshll.u32 s3, $0xA  }
0x9: {  	[tilespmem:s10], [sflag:$0x1] =	stream.linear.gather [hbm4b:s8+s5], $0x800, $0x38;
	[tilespmem:$0x2400] =	vst v63  }
0xa: {  	s24 =	simm.s32 $0x1000;
	s23 =	sshll.u32 s2, $0xA;
	s22 =	sadd.s32 s7, s9  }
0xb: {  	[tilespmem:s24], [sflag:$0x1] =	stream.linear.gather [hbm4b:s22+s5], $0x800, $0x38;
	[tilespmem:$0x2400] =	vst v63  }
0xc: {  	s25 =	simm.s32 $0x1800;
	s26 =	simm.s32 $0x1;
	s7 =	sadd.s32 s7, s23  }
0xd: {  	[tilespmem:s25], [sflag:$0x1] =	stream.linear.gather [hbm4b:s7+s5], $0x800, $0x38;
	[tilespmem:$0x2400] =	vst v63  }
0xe: {  	_ =	swait.ge [sflag:s26], $0x800  }
0xf: {  	[sflag:s26] =	ssyncset.done $0x0  }
0x10: {  	[sflag:s26] =	ssyncadd.s32 $0xFFFFF800  }
0x11: {  	_ =	swait.ge [sflag:s26], $0x800  }
0x12: {  	[sflag:s26] =	ssyncset.done $0x0  }
0x13: {  	[sflag:s26] =	ssyncadd.s32 $0xFFFFF800  }
0x14: {  	_ =	swait.ge [sflag:s26], $0x800  }
0x15: {  	[sflag:s26] =	ssyncset.done $0x0  }
0x16: {  	[sflag:s26] =	ssyncadd.s32 $0xFFFFF800  }
0x17: {  	s28 =	simm.s32 $0x0;
	_ =	swait.ge [sflag:s26], $0x800  }
0x18: {  	s29 =	sand.u32 $0x70, s5;
	s8 =	sand.u32 $0x3FFFFC00, s28;
	[sflag:s26] =	ssyncset.done $0x0  }
0x19: {  	s30 =	sor.u32 s29, s8;
	[sflag:s26] =	ssyncadd.s32 $0xFFFFF800  }
0x1a: {  	v0 =	vld [tilespmem:s30+$0x0]  }
0x1b: {  	v1 =	vld [tilespmem:s30+$0x80];
	_ =	sdelay $0x1  }
0x1c: {  	v2 =	vld [tilespmem:s30+$0x100];
	_ =	sdelay $0x1  }
0x1d: {  	v3 =	vld [tilespmem:s30+$0x180]  }
0x1e: {  	v0 =	vadd.f32 v1, v0  }
0x1f: {  	v1 =	vld [tilespmem:s30+$0x200]  }
0x20: {  	v0 =	vadd.f32 v2, v0  }
0x21: {  	v2 =	vld [tilespmem:s30+$0x280]  }
0x22: {  	v0 =	vadd.f32 v3, v0  }
0x23: {  	v3 =	vld [tilespmem:s30+$0x300]  }
0x24: {  	v0 =	vadd.f32 v1, v0  }
0x25: {  	v1 =	vld [tilespmem:s30+$0x380]  }
0x26: {  	v0 =	vadd.f32 v2, v0;
	_ =	sdelay $0x1  }
0x27: {  	v0 =	vadd.f32 v3, v0;
	_ =	sdelay $0x1  }
0x28: {  	v0 =	vadd.f32 v1, v0  }
0x29: {  	s31 =	simm.s32 $0x0  }
0x2a: {  	s7 =	sand.u32 $0x3FFFFE00, s31;
	v0 =	vmul.f32 $1.250000000e-01, v0  }
0x2b: {  	s7 =	sor.u32 s29, s7  }
0x2c: {  	[tilespmem:s7+$0x2000] =	vst v0  }
0x2d: {  	v0 =	vld [tilespmem:s30+$0x800]  }
0x2e: {  	v1 =	vld [tilespmem:s30+$0x880];
	_ =	sdelay $0x1  }
0x2f: {  	v2 =	vld [tilespmem:s30+$0x900];
	_ =	sdelay $0x1  }
0x30: {  	v3 =	vld [tilespmem:s30+$0x980]  }
0x31: {  	v0 =	vadd.f32 v1, v0  }
0x32: {  	v1 =	vld [tilespmem:s30+$0xA00]  }
0x33: {  	v0 =	vadd.f32 v2, v0  }
0x34: {  	v2 =	vld [tilespmem:s30+$0xA80]  }
0x35: {  	v0 =	vadd.f32 v3, v0  }
0x36: {  	v3 =	vld [tilespmem:s30+$0xB00]  }
0x37: {  	v0 =	vadd.f32 v1, v0  }
0x38: {  	v1 =	vld [tilespmem:s30+$0xB80]  }
0x39: {  	v0 =	vadd.f32 v2, v0;
	_ =	sdelay $0x1  }
0x3a: {  	v0 =	vadd.f32 v3, v0;
	_ =	sdelay $0x1  }
0x3b: {  	v0 =	vadd.f32 v1, v0;
	_ =	sdelay $0x1  }
0x3c: {  	v0 =	vmul.f32 $1.250000000e-01, v0;
	_ =	sdelay $0x1  }
0x3d: {  	[tilespmem:s7+$0x2080] =	vst v0  }
0x3e: {  	v0 =	vld [tilespmem:s30+$0x1000]  }
0x3f: {  	v1 =	vld [tilespmem:s30+$0x1080];
	_ =	sdelay $0x1  }
0x40: {  	v2 =	vld [tilespmem:s30+$0x1100];
	_ =	sdelay $0x1  }
0x41: {  	v3 =	vld [tilespmem:s30+$0x1180]  }
0x42: {  	v0 =	vadd.f32 v1, v0  }
0x43: {  	v1 =	vld [tilespmem:s30+$0x1200]  }
0x44: {  	v0 =	vadd.f32 v2, v0  }
0x45: {  	v2 =	vld [tilespmem:s30+$0x1280]  }
0x46: {  	v0 =	vadd.f32 v3, v0  }
0x47: {  	v3 =	vld [tilespmem:s30+$0x1300]  }
0x48: {  	v0 =	vadd.f32 v1, v0  }
0x49: {  	v1 =	vld [tilespmem:s30+$0x1380]  }
0x4a: {  	v0 =	vadd.f32 v2, v0;
	_ =	sdelay $0x1  }
0x4b: {  	v0 =	vadd.f32 v3, v0;
	_ =	sdelay $0x1  }
0x4c: {  	v0 =	vadd.f32 v1, v0;
	_ =	sdelay $0x1  }
0x4d: {  	v0 =	vmul.f32 $1.250000000e-01, v0;
	_ =	sdelay $0x1  }
0x4e: {  	[tilespmem:s7+$0x2100] =	vst v0  }
0x4f: {  	v0 =	vld [tilespmem:s30+$0x1800]  }
0x50: {  	v1 =	vld [tilespmem:s30+$0x1880];
	_ =	sdelay $0x1  }
0x51: {  	v2 =	vld [tilespmem:s30+$0x1900];
	_ =	sdelay $0x1  }
0x52: {  	v3 =	vld [tilespmem:s30+$0x1980]  }
0x53: {  	v0 =	vadd.f32 v1, v0  }
0x54: {  	v1 =	vld [tilespmem:s30+$0x1A00]  }
0x55: {  	v0 =	vadd.f32 v2, v0  }
0x56: {  	v2 =	vld [tilespmem:s30+$0x1A80]  }
0x57: {  	v0 =	vadd.f32 v3, v0  }
0x58: {  	v3 =	vld [tilespmem:s30+$0x1B00]  }
0x59: {  	v0 =	vadd.f32 v1, v0;
	_ =	sdelay $0x1  }
0x5a: {  	v1 =	vadd.f32 v2, v0;
	v0 =	vld [tilespmem:s30+$0x1B80];
	_ =	sdelay $0x1  }
0x5b: {  	s6 =	sadd.s32 $0x800, s6;
	s8 =	simm.s32 $0x1;
	v1 =	vadd.f32 v3, v1  }
.LBB2_1:
0x5c: {  	p0 =	sne.s32 s8, $0xF  }
0x5d: {  	s5 =	sadd.s32 $0x10, s5;
	s10 =	smov.u32 s8;
	s8 =	sadd.s32 $0x1, s8  }
0x5e: {  	v0 =	vadd.f32 v0, v1  }
0x5f: {  	s9 =	sshll.u32 s10, $0x7  }
0x60: {  	s11 =	sand.u32 $0x70, s5;
	s9 =	sand.u32 $0x3FFFFC00, s9;
	v0 =	vmul.f32 $1.250000000e-01, v0  }
0x61: {  	s9 =	sor.u32 s11, s9  }
0x62: {  	[tilespmem:s7+$0x2180] =	vst v0  }
0x63: {  	v0 =	vld [tilespmem:s9+$0x0]  }
0x64: {  	v1 =	vld [tilespmem:s9+$0x80];
	_ =	sdelay $0x1  }
0x65: {  	v2 =	vld [tilespmem:s9+$0x100];
	_ =	sdelay $0x1  }
0x66: {  	v3 =	vld [tilespmem:s9+$0x180]  }
0x67: {  	v0 =	vadd.f32 v1, v0  }
0x68: {  	v1 =	vld [tilespmem:s9+$0x200]  }
0x69: {  	v0 =	vadd.f32 v2, v0  }
0x6a: {  	v2 =	vld [tilespmem:s9+$0x280]  }
0x6b: {  	v0 =	vadd.f32 v3, v0  }
0x6c: {  	v3 =	vld [tilespmem:s9+$0x300]  }
0x6d: {  	v0 =	vadd.f32 v1, v0  }
0x6e: {  	v1 =	vld [tilespmem:s9+$0x380]  }
0x6f: {  	v0 =	vadd.f32 v2, v0;
	_ =	sdelay $0x1  }
0x70: {  	v0 =	vadd.f32 v3, v0;
	_ =	sdelay $0x1  }
0x71: {  	v0 =	vadd.f32 v1, v0  }
0x72: {  	s7 =	sshll.u32 s10, $0x6  }
0x73: {  	s7 =	sand.u32 $0x3FFFFE00, s7;
	v0 =	vmul.f32 $1.250000000e-01, v0  }
0x74: {  	s7 =	sor.u32 s11, s7  }
0x75: {  	[tilespmem:s7+$0x2000] =	vst v0  }
0x76: {  	v0 =	vld [tilespmem:s9+$0x800]  }
0x77: {  	v1 =	vld [tilespmem:s9+$0x880];
	_ =	sdelay $0x1  }
0x78: {  	v2 =	vld [tilespmem:s9+$0x900];
	_ =	sdelay $0x1  }
0x79: {  	v3 =	vld [tilespmem:s9+$0x980]  }
0x7a: {  	v0 =	vadd.f32 v1, v0  }
0x7b: {  	v1 =	vld [tilespmem:s9+$0xA00]  }
0x7c: {  	v0 =	vadd.f32 v2, v0  }
0x7d: {  	v2 =	vld [tilespmem:s9+$0xA80]  }
0x7e: {  	v0 =	vadd.f32 v3, v0  }
0x7f: {  	v3 =	vld [tilespmem:s9+$0xB00]  }
0x80: {  	v0 =	vadd.f32 v1, v0  }
0x81: {  	v1 =	vld [tilespmem:s9+$0xB80]  }
0x82: {  	v0 =	vadd.f32 v2, v0;
	_ =	sdelay $0x1  }
0x83: {  	v0 =	vadd.f32 v3, v0;
	_ =	sdelay $0x1  }
0x84: {  	v0 =	vadd.f32 v1, v0;
	_ =	sdelay $0x1  }
0x85: {  	v0 =	vmul.f32 $1.250000000e-01, v0;
	_ =	sdelay $0x1  }
0x86: {  	[tilespmem:s7+$0x2080] =	vst v0  }
0x87: {  	v0 =	vld [tilespmem:s9+$0x1000]  }
0x88: {  	v1 =	vld [tilespmem:s9+$0x1080];
	_ =	sdelay $0x1  }
0x89: {  	v2 =	vld [tilespmem:s9+$0x1100];
	_ =	sdelay $0x1  }
0x8a: {  	v3 =	vld [tilespmem:s9+$0x1180]  }
0x8b: {  	v0 =	vadd.f32 v1, v0  }
0x8c: {  	v1 =	vld [tilespmem:s9+$0x1200]  }
0x8d: {  	v0 =	vadd.f32 v2, v0  }
0x8e: {  	v2 =	vld [tilespmem:s9+$0x1280]  }
0x8f: {  	v0 =	vadd.f32 v3, v0  }
0x90: {  	v3 =	vld [tilespmem:s9+$0x1300]  }
0x91: {  	v0 =	vadd.f32 v1, v0  }
0x92: {  	v1 =	vld [tilespmem:s9+$0x1380]  }
0x93: {  	v0 =	vadd.f32 v2, v0;
	_ =	sdelay $0x1  }
0x94: {  	v0 =	vadd.f32 v3, v0;
	_ =	sdelay $0x1  }
0x95: {  	v0 =	vadd.f32 v1, v0;
	_ =	sdelay $0x1  }
0x96: {  	v0 =	vmul.f32 $1.250000000e-01, v0;
	_ =	sdelay $0x1  }
0x97: {  	[tilespmem:s7+$0x2100] =	vst v0  }
0x98: {  	v0 =	vld [tilespmem:s9+$0x1800]  }
0x99: {  	v1 =	vld [tilespmem:s9+$0x1880]  }
0x9a: {  	v2 =	vld [tilespmem:s9+$0x1900]  }
0x9b: {  	v3 =	vld [tilespmem:s9+$0x1980]  }
0x9c: {  	v4 =	vld [tilespmem:s9+$0x1A00]  }
0x9d: {  	v5 =	vld [tilespmem:s9+$0x1A80]  }
0x9e: {  	v1 =	vadd.f32 v1, v0;
	v6 =	vld [tilespmem:s9+$0x1B00]  }
0x9f: {  	v0 =	vld [tilespmem:s9+$0x1B80]  }
0xa0: {  	v1 =	vadd.f32 v2, v1;
	_ =	sdelay $0x1  }
0xa1: {  	v1 =	vadd.f32 v3, v1;
	_ =	sdelay $0x1  }
.Ltmp0:
0xa2: {  	v1 =	vadd.f32 v4, v1;
	(pc) =	sbr.rel @p0 .LBB2_1-.Ltmp0, $3  }
0xa3: {  	_ = 	snop  }
0xa4: {  	v1 =	vadd.f32 v5, v1;
	_ =	sdelay $0x1  }
0xa5: {  	v1 =	vadd.f32 v6, v1  }
0xa6: {  	s5 =	sshll.u32 s1, $0x8  }
0xa7: {  	s8 =	sshll.u32 s1, $0x7;
	s22 =	simm.s32 $0x0;
	s9 =	simm.s32 $0x2000;
	v0 =	vadd.f32 v0, v1  }
0xa8: {  	s23 =	simm.s32 $0x2200;
	s5 =	sand.u32 $0x800, s5;
	s8 =	sand.u32 $0x380, s8  }
0xa9: {  	s4 =	sshll.u32 s4, $0x8;
	s24 =	simm.s32 $0x2080;
	s5 =	sor.u32 s8, s5;
	v0 =	vmul.f32 $1.250000000e-01, v0  }
0xaa: {  	s25 =	simm.s32 $0x2280;
	s4 =	sand.u32 $0x1800, s4;
	s5 =	sshrl.u32 s5, $0x3  }
0xab: {  	s3 =	sshll.u32 s3, $0x8;
	s4 =	sor.u32 s8, s4;
	s5 =	sadd.s32 s6, s5;
	[tilespmem:s7+$0x2180] =	vst v0  }
0xac: {  	[hbm4b:s5+s22] =	stream.linear.scatter [tilespmem:s9], [sflag:$0x2], $0x80, $0x38;
	[tilespmem:$0x2400] =	vst v63  }
0xad: {  	s3 =	sand.u32 $0x2800, s3;
	s4 =	sshrl.u32 s4, $0x3;
	s5 =	sadd.s32 $0x80, s5  }
0xae: {  	[hbm4b:s5+s22] =	stream.linear.scatter [tilespmem:s23], [sflag:$0x2], $0x80, $0x38;
	[tilespmem:$0x2400] =	vst v63  }
0xaf: {  	s2 =	sshll.u32 s2, $0x8;
	s3 =	sor.u32 s8, s3;
	s4 =	sadd.s32 s6, s4  }
0xb0: {  	[hbm4b:s4+s22] =	stream.linear.scatter [tilespmem:s24], [sflag:$0x2], $0x80, $0x38;
	[tilespmem:$0x2400] =	vst v63  }
0xb1: {  	s2 =	sand.u32 $0x3800, s2;
	s3 =	sshrl.u32 s3, $0x3;
	s4 =	sadd.s32 $0x80, s4  }
0xb2: {  	[hbm4b:s4+s22] =	stream.linear.scatter [tilespmem:s25], [sflag:$0x2], $0x80, $0x38;
	[tilespmem:$0x2400] =	vst v63  }
0xb3: {  	s26 =	simm.s32 $0x2100;
	s2 =	sor.u32 s8, s2;
	s3 =	sadd.s32 s6, s3  }
0xb4: {  	[hbm4b:s3+s22] =	stream.linear.scatter [tilespmem:s26], [sflag:$0x2], $0x80, $0x38;
	[tilespmem:$0x2400] =	vst v63  }
0xb5: {  	s28 =	simm.s32 $0x2300;
	s2 =	sshrl.u32 s2, $0x3;
	s3 =	sadd.s32 $0x80, s3  }
0xb6: {  	[hbm4b:s3+s22] =	stream.linear.scatter [tilespmem:s28], [sflag:$0x2], $0x80, $0x38;
	[tilespmem:$0x2400] =	vst v63  }
0xb7: {  	s29 =	simm.s32 $0x2180;
	s2 =	sadd.s32 s6, s2  }
0xb8: {  	[hbm4b:s2+s22] =	stream.linear.scatter [tilespmem:s29], [sflag:$0x2], $0x80, $0x38;
	[tilespmem:$0x2400] =	vst v63  }
0xb9: {  	s30 =	simm.s32 $0x2380;
	s31 =	simm.s32 $0x2;
	s2 =	sadd.s32 $0x80, s2  }
0xba: {  	[hbm4b:s2+s22] =	stream.linear.scatter [tilespmem:s30], [sflag:$0x2], $0x80, $0x38;
	[tilespmem:$0x2400] =	vst v63  }
0xbb: {  	_ =	swait.ge [sflag:s31], $0x100  }
0xbc: {  	[sflag:s31] =	ssyncset.done $0x0  }
0xbd: {  	[sflag:s31] =	ssyncadd.s32 $0xFFFFFF00  }
0xbe: {  	_ =	swait.ge [sflag:s31], $0x100  }
0xbf: {  	[sflag:s31] =	ssyncset.done $0x0  }
0xc0: {  	[sflag:s31] =	ssyncadd.s32 $0xFFFFFF00  }
0xc1: {  	_ =	swait.ge [sflag:s31], $0x100  }
0xc2: {  	[sflag:s31] =	ssyncset.done $0x0  }
0xc3: {  	[sflag:s31] =	ssyncadd.s32 $0xFFFFFF00  }
0xc4: {  	_ =	swait.ge [sflag:s31], $0x100  }
0xc5: {  	[sflag:s31] =	ssyncset.done $0x0  }
0xc6: {  	[sflag:s31] =	ssyncadd.s32 $0xFFFFFF00  }
0xc7: {  	_ =	sfence.sel $0x180000  }
0xc8: {  	[bflag:$0x0] =	sbarrier.arrive $0xFFFF  }
0xc9: {  	p0 =	sne.s32 s1, $0x0;
	_ =	strace $0x90000047  }
0xca: {  	s0 =	sadd.s32 @!p0 $0x100000, s0;
	[bflag:$0x2] =	sbarrier.arrive $0xFFFF  }
0xcb: {  	[sflag:s0] =	ssyncadd.tile.s32 @!p0 $0x1;
	_ =	shalt  }
.Lfunc_end2:
_tile_overlayer_lowered:
.L_overlay_start_2:
0xcc: {  	(tag) =	ssettag $0x2  }
0xcd: {  	s0 =	rddreg [dreg:$0x0];
	s2 =	stileid.u32  }
0xce: {  	s1 =	rddreg [dreg:$0x1];
	p0 =	sne.s32 s2, $0x0  }
0xcf: {  	s3 =	rddreg [dreg:$0x2];
	[bflag:$0x3] =	sbarrier.arrive $0xFFFF;
	s2 =	simm.s32 @!p0 $0x1C03  }
0xd0: {  	[timem:s3], [sflag:s2] =	dma.local @!p0 [hbm:s0], s1  }
0xd1: {  	s0 =	simm.s32 @!p0 $0x3  }
0xd2: {  	_ =	swait.ge @!p0 [sflag:s0], s1  }
0xd3: {  	s1 =	ssub.s32 @!p0 $0x0, s1;
	[sflag:s0] =	ssyncset.done @!p0 $0x0  }
0xd4: {  	[sflag:s0] =	ssyncadd.s32 @!p0 s1  }
0xd5: {  	[bflag:$0x3] =	sbarrier.arrive $0xFFFF  }
0xd6: {  	_ =	shalt  }

</sc_bundles>
